<compile_context>
chip_gen: v7x
topology: tpu7x:2x2x1
jax: 0.10.2.dev20260603
libtpu: 0.0.44.dev20260713+nightly
codegen_flags: <defaults>
</compile_context>

<pallas_src>
import functools

import jax
import jax.numpy as jnp
from jax import lax
from jax.experimental import pallas as pl
from jax.experimental.pallas import tpu as pltpu
from jax.experimental.pallas import tpu_sc as plsc

NUM_BINS = 64
GROUP = 16
HIDDEN = 128

B, C, H, W = 2, 96, 512, 512
BC = B * C
NPIX = H * W
BLK = 16

_NC, _NS, _L = 2, 16, 16
_NW = _NC * _NS
CPW = BC // _NW
CHUNK = 32768
NCHUNK = NPIX // CHUNK


_IPS = 8


def _stats_body(x_ref, mn_ref, mx_ref, bs_ref):
    xb = x_ref[...]
    mn_ref[0] = jnp.min(xb.reshape(_IPS, BLK * 4, 8, W),
                        axis=1).reshape(_IPS * 8, W)
    mx_ref[0] = jnp.max(xb.reshape(_IPS, BLK * 4, 8, W),
                        axis=1).reshape(_IPS * 8, W)
    rs = xb.reshape(_IPS * (H // BLK), BLK, W).sum(axis=1)
    wi = lax.broadcasted_iota(jnp.int32, (W, W // BLK), 0)
    ci = lax.broadcasted_iota(jnp.int32, (W, W // BLK), 1)
    P = (wi // BLK == ci).astype(jnp.float32)
    bs_ref[0] = jnp.dot(rs, P, preferred_element_type=jnp.float32)


def _run_stats(xf):
    ng = BC // _IPS
    return pl.pallas_call(
        _stats_body,
        grid=(ng,),
        in_specs=[pl.BlockSpec((_IPS, H, W), lambda i: (i, 0, 0))],
        out_specs=[
            pl.BlockSpec((1, _IPS * 8, W), lambda i: (i, 0, 0)),
            pl.BlockSpec((1, _IPS * 8, W), lambda i: (i, 0, 0)),
            pl.BlockSpec((1, _IPS * (H // BLK), W // BLK),
                         lambda i: (i, 0, 0)),
        ],
        out_shape=[
            jax.ShapeDtypeStruct((ng, _IPS * 8, W), jnp.float32),
            jax.ShapeDtypeStruct((ng, _IPS * 8, W), jnp.float32),
            jax.ShapeDtypeStruct((ng, _IPS * (H // BLK), W // BLK),
                                 jnp.float32),
        ],
        compiler_params=pltpu.CompilerParams(
            dimension_semantics=("arbitrary",)),
    )(xf)


def _lut_body(bs_ref, mn_ref, mx_ref, w1_ref, b1_ref, w2_ref, b2_ref,
              w3_ref, b3_ref, alpha_ref, lut_ref, lutd_ref, s_ref, t_ref):
    K = NUM_BINS
    G = GROUP
    xmn = jnp.min(mn_ref[...], axis=1, keepdims=True)
    xmx = jnp.max(mx_ref[...], axis=1, keepdims=True)
    rng = xmx - xmn
    inv = 1.0 / (rng + 1e-6)
    xs = (bs_ref[...] * (1.0 / (BLK * BLK)) - xmn) * inv
    ji = lax.broadcasted_iota(jnp.int32, (B * G, BC), 0)
    bci = lax.broadcasted_iota(jnp.int32, (B * G, BC), 1)
    bg = (bci // C) * G + (bci % C) // (C // G)
    gsel = jnp.where(bg == ji, 1.0 / (C // G), 0.0)
    xg = jnp.dot(gsel, xs, preferred_element_type=jnp.float32)
    idx = jnp.clip(jnp.round(xg * (K - 1)).astype(jnp.int32), 0, K - 1)
    ki = lax.broadcasted_iota(jnp.int32, (B * G, xg.shape[1], K), 2)
    oh = (idx[:, :, None] == ki).astype(jnp.float32)
    hist = oh.sum(axis=1)
    pdf = hist / (hist.sum(axis=-1, keepdims=True) + 1e-6)
    r0 = lax.broadcasted_iota(jnp.int32, (K, K), 0)
    r1 = lax.broadcasted_iota(jnp.int32, (K, K), 1)
    T = (r0 <= r1).astype(jnp.float32)
    cdf = jnp.dot(pdf, T, preferred_element_type=jnp.float32)
    dc = 0.5 * (cdf[:G] + cdf[G:])
    z2 = jnp.zeros((G, 2), jnp.float32)
    dpad = jnp.concatenate([z2, dc, z2], axis=1)
    col = jnp.concatenate([dpad[:, t:t + K] for t in range(5)], axis=0)
    h = jnp.maximum(
        jnp.dot(w1_ref[...], col, preferred_element_type=jnp.float32)
        + b1_ref[...], 0.0)
    z2h = jnp.zeros((HIDDEN, 2), jnp.float32)
    hpad = jnp.concatenate([z2h, h, z2h], axis=1)
    w2 = w2_ref[...]
    h2 = b2_ref[...]
    for t in range(5):
        h2 = h2 + w2[:, t:t + 1] * hpad[:, t:t + K]
    h2 = jnp.maximum(h2, 0.0)
    delta = (jnp.dot(w3_ref[...], h2, preferred_element_type=jnp.float32)
             + b3_ref[...])
    sp = jnp.maximum(delta, 0.0) + jnp.log(1.0 + jnp.exp(-jnp.abs(delta)))
    cdf2 = jnp.dot(sp, T, preferred_element_type=jnp.float32)
    cdf2 = cdf2 / (cdf2[:, K - 1:K] + 1e-6)
    ident = lax.broadcasted_iota(jnp.int32, (G, K), 1).astype(jnp.float32)
    ident = ident * (1.0 / (K - 1))
    a = 1.0 / (1.0 + jnp.exp(-jnp.full((G, K), alpha_ref[0, 0])))
    lut2 = a * (cdf2 + ident) + (1.0 - a) * ident
    lutc = jnp.broadcast_to(lut2[:, None, :], (G, C // G, K)).reshape(C, K)
    lutbc = jnp.broadcast_to(lutc[None], (B, C, K)).reshape(BC, K)
    lut3 = lutbc * rng + xmn
    lut_ref[...] = lut3
    lutd_ref[...] = jnp.concatenate(
        [lut3[:, 1:] - lut3[:, :-1], jnp.zeros((BC, 1), jnp.float32)], axis=1)
    s = (K - 1.0) * inv
    s_ref[...] = jnp.broadcast_to(s, (BC, _L))
    t_ref[...] = jnp.broadcast_to(-(xmn * s), (BC, _L))


def _run_lut(bs2, xmn, xmx, w1e, b1c, w2e, b2c, w3r, b3c, alpha2):
    n_in = 9
    return pl.pallas_call(
        _lut_body,
        in_specs=[pl.BlockSpec(memory_space=pltpu.VMEM)] * n_in
        + [pl.BlockSpec(memory_space=pltpu.SMEM)],
        out_specs=[pl.BlockSpec(memory_space=pltpu.VMEM)] * 4,
        out_shape=[
            jax.ShapeDtypeStruct((BC, NUM_BINS), jnp.float32),
            jax.ShapeDtypeStruct((BC, NUM_BINS), jnp.float32),
            jax.ShapeDtypeStruct((BC, _L), jnp.float32),
            jax.ShapeDtypeStruct((BC, _L), jnp.float32),
        ],
    )(bs2, xmn, xmx, w1e, b1c, w2e, b2c, w3r, b3c, alpha2)


def _pix_body(x_hbm, lut_hbm, lutd_hbm, s_hbm, t_hbm, out_hbm,
              lut_v, lutd_v, s_v, t_v, b0, b1, b2,
              si0, si1, si2, so0, so1, so2):
    wid = lax.axis_index("s") * _NC + lax.axis_index("c")
    cbase = wid * CPW
    pltpu.sync_copy(lut_hbm.at[pl.ds(cbase * NUM_BINS, CPW * NUM_BINS)], lut_v)
    pltpu.sync_copy(lutd_hbm.at[pl.ds(cbase * NUM_BINS, CPW * NUM_BINS)],
                    lutd_v)
    pltpu.sync_copy(s_hbm.at[pl.ds(cbase * _L, CPW * _L)], s_v)
    pltpu.sync_copy(t_hbm.at[pl.ds(cbase * _L, CPW * _L)], t_v)
    nch = CPW * NCHUNK
    bufs, sins, souts = (b0, b1, b2), (si0, si1, si2), (so0, so1, so2)

    def in_sl(ch):
        return x_hbm.at[cbase + ch // NCHUNK, ch % NCHUNK, :, :]

    def out_sl(ch):
        return out_hbm.at[cbase + ch // NCHUNK, ch % NCHUNK, :, :]

    pltpu.async_copy(in_sl(0), b0, si0)
    pltpu.async_copy(in_sl(1), b1, si1)

    def group(g, carry):
        for b in range(3):
            ch = 3 * g + b
            buf, si, so = bufs[b], sins[b], souts[b]
            nb = (b + 2) % 3
            pltpu.make_async_copy(in_sl(ch), buf, si).wait()
            cl = ch // NCHUNK
            sv = s_v[pl.ds(cl * _L, _L)]
            tv = t_v[pl.ds(cl * _L, _L)]
            lutc = lut_v.at[pl.ds(cl * NUM_BINS, NUM_BINS)]
            lutdc = lutd_v.at[pl.ds(cl * NUM_BINS, NUM_BINS)]

            @plsc.parallel_loop(0, CHUNK, _L, unroll=8)
            def pix(off, buf=buf, sv=sv, tv=tv, lutc=lutc, lutdc=lutdc):
                r = off // W
                c = off % W
                xv = buf[r, pl.ds(c, _L)]
                pos = xv * sv + tv
                idl = pos.astype(jnp.int32)
                frac = pos - idl.astype(jnp.float32)
                lo = plsc.load_gather(lutc, [idl])
                dd = plsc.load_gather(lutdc, [idl])
                buf[r, pl.ds(c, _L)] = lo + frac * dd

            pltpu.async_copy(buf, out_sl(ch), so)

            @pl.when(ch + 2 < nch)
            def _():
                @pl.when(ch >= 1)
                def _():
                    pltpu.make_async_copy(
                        bufs[nb], out_sl(ch - 1), souts[nb]).wait()
                pltpu.async_copy(in_sl(ch + 2), bufs[nb], sins[nb])
        return carry

    lax.fori_loop(0, nch // 3, group, 0)
    for j in range(3):
        pltpu.make_async_copy(bufs[j], out_sl(nch - 3 + j), souts[j]).wait()


_CROWS = CHUNK // W

_pix_kernel = functools.partial(
    pl.kernel,
    out_type=jax.ShapeDtypeStruct((BC, NCHUNK, _CROWS, W), jnp.float32),
    mesh=plsc.VectorSubcoreMesh(
        core_axis_name="c", subcore_axis_name="s",
        num_cores=_NC, num_subcores=_NS),
    compiler_params=pltpu.CompilerParams(
        needs_layout_passes=False, use_tc_tiling_on_sc=True),
    scratch_types=[
        pltpu.VMEM((CPW * NUM_BINS,), jnp.float32),
        pltpu.VMEM((CPW * NUM_BINS,), jnp.float32),
        pltpu.VMEM((CPW * _L,), jnp.float32),
        pltpu.VMEM((CPW * _L,), jnp.float32),
        pltpu.VMEM((_CROWS, W), jnp.float32),
        pltpu.VMEM((_CROWS, W), jnp.float32),
        pltpu.VMEM((_CROWS, W), jnp.float32),
        pltpu.SemaphoreType.DMA,
        pltpu.SemaphoreType.DMA,
        pltpu.SemaphoreType.DMA,
        pltpu.SemaphoreType.DMA,
        pltpu.SemaphoreType.DMA,
        pltpu.SemaphoreType.DMA,
    ],
)(_pix_body)


@jax.jit
def kernel(x, W1, b1, W2, b2, W3, b3, alpha):
    xf = x.reshape(BC, H, W)
    mn, mx, bs = _run_stats(xf)
    xmn = mn.reshape(BC, 8 * W)
    xmx = mx.reshape(BC, 8 * W)
    bs2 = bs.reshape(BC, (H // BLK) * (W // BLK))
    w1e = W1[:, :, 2, :].transpose(0, 2, 1).reshape(HIDDEN, 5 * GROUP)
    w2e = W2[:, 0, 2, :]
    w3r = W3[:, :, 0, 0]
    lut3, lutd, s_rep, t_rep = _run_lut(
        bs2, xmn, xmx, w1e, b1.reshape(HIDDEN, 1), w2e,
        b2.reshape(HIDDEN, 1), w3r, b3.reshape(GROUP, 1),
        alpha.reshape(1, 1))
    out = _pix_kernel(x.reshape(BC, NCHUNK, H // NCHUNK, W), lut3.reshape(-1),
                      lutd.reshape(-1), s_rep.reshape(-1), t_rep.reshape(-1))
    return out.reshape(B, C, H, W)

# --- scband reference (transcript-rebuilt; emitter-appended) ---
"""Pipeline reference for scband-learnable-hist-eq-81355270521054 (READ-ONLY COPY).

The authoritative reference and input builder live on the scoring server;
editing this copy changes nothing except your own understanding.
"""

import jax, jax.numpy as jnp
import numpy as np

NUM_BINS = 64
GROUP = 16
HIDDEN = 128
DOWNSAMPLE = 32


def conv2d(x, w, b, padding, groups):
    out = jax.lax.conv_general_dilated(
        x, w, window_strides=(1, 1),
        padding=((padding, padding), (padding, padding)),
        feature_group_count=groups,
        dimension_numbers=('NCHW', 'OIHW', 'NCHW'))
    return out + b[None, :, None, None]


def lut_net(hist_cdf, W1, b1, W2, b2, W3, b3):
    h = jax.nn.relu(conv2d(hist_cdf, W1, b1, 2, 1))
    h = jax.nn.relu(conv2d(h, W2, b2, 2, HIDDEN))
    delta = conv2d(h, W3, b3, 0, 1)
    delta = jax.nn.softplus(delta)
    cdf = jnp.cumsum(delta, axis=-1)
    cdf = cdf / (cdf[..., -1:] + 1e-06)
    identity = jnp.linspace(0.0, 1.0, NUM_BINS).reshape(1, 1, -1)
    return cdf + identity


def estimate_cdf_shift(x_small):
    B, C, h, w = x_small.shape
    K = NUM_BINS
    G = GROUP
    x_group = x_small.reshape(B, G, C // G, h, w).mean(axis=2)
    idx = jnp.clip(jnp.round(x_group * (K - 1)).astype(jnp.int32), 0, K - 1)
    oh = jax.nn.one_hot(idx.reshape(B, G, -1), K, dtype=jnp.float32)
    hist = oh.sum(axis=2)
    pdf = hist / (hist.sum(axis=-1, keepdims=True) + 1e-06)
    cdf = jnp.cumsum(pdf, axis=-1)
    cdf_mean = cdf.mean(axis=0, keepdims=True)
    return cdf_mean.reshape(1, G, 1, K)


def interp_lut(x01, lut):
    B, C, H, W = x01.shape
    K = NUM_BINS
    G = GROUP
    pos = x01 * (K - 1)
    idx_lo = jnp.clip(jnp.floor(pos).astype(jnp.int32), 0, K - 1)
    idx_hi = jnp.clip(idx_lo + 1, 0, K - 1)
    w_hi = pos - idx_lo.astype(pos.dtype)
    group_size = C // G
    group_ids = jnp.arange(C) // group_size
    lut2 = lut[:, :, 0, :]
    lut_group = lut2[0, group_ids, :]
    idx_lo_flat = idx_lo.reshape(B, C, -1)
    idx_hi_flat = idx_hi.reshape(B, C, -1)
    lut_exp = jnp.broadcast_to(lut_group[None], (B, C, K))
    v_lo = jnp.take_along_axis(lut_exp, idx_lo_flat, axis=2)
    v_hi = jnp.take_along_axis(lut_exp, idx_hi_flat, axis=2)
    w_flat = w_hi.reshape(B, C, -1)
    out_flat = v_lo + w_flat * (v_hi - v_lo)
    return out_flat.reshape(B, C, H, W)


def forward(x, W1, b1, W2, b2, W3, b3, alpha):
    B, C, H, W = x.shape
    x_ = x.reshape(B, C, -1)
    x_min = x_.min(axis=-1, keepdims=True).reshape(B, C, 1, 1)
    x_max = x_.max(axis=-1, keepdims=True).reshape(B, C, 1, 1)
    x01 = (x - x_min) / (x_max - x_min + 1e-06)
    x_small = x01.reshape(B, C, DOWNSAMPLE, H // DOWNSAMPLE, DOWNSAMPLE, W // DOWNSAMPLE).mean(axis=(3, 5))
    x_small_detached = jax.lax.stop_gradient(x_small)
    delta_cdf = jax.lax.stop_gradient(estimate_cdf_shift(x_small_detached))
    adapt_cdf = lut_net(delta_cdf, W1, b1, W2, b2, W3, b3)
    x_eq01 = interp_lut(x01, adapt_cdf)
    a = jax.nn.sigmoid(alpha)
    out01 = a * x_eq01 + (1 - a) * x01
    out = out01 * (x_max - x_min) + x_min
    return out


def setup_inputs(seed: int = 0) -> dict:
    key = jax.random.key(seed)
    k = jax.random.split(key, 8)
    x = jax.random.normal(k[0], (2, 96, 512, 512), dtype=jnp.float32)
    W1 = jax.random.normal(k[1], (HIDDEN, GROUP, 5, 5), dtype=jnp.float32) * 0.05
    b1 = jnp.zeros((HIDDEN,), dtype=jnp.float32)
    W2 = jax.random.normal(k[2], (HIDDEN, 1, 5, 5), dtype=jnp.float32) * 0.05
    b2 = jnp.zeros((HIDDEN,), dtype=jnp.float32)
    W3 = jax.random.normal(k[3], (GROUP, HIDDEN, 1, 1), dtype=jnp.float32) * 0.05
    b3 = jnp.zeros((GROUP,), dtype=jnp.float32)
    alpha = jnp.asarray(0.25, dtype=jnp.float32)
    return {'x': x, 'W1': W1, 'b1': b1, 'W2': W2, 'b2': b2, 'W3': W3, 'b3': b3, 'alpha': alpha}


def reference(x, W1, b1, W2, b2, W3, b3, alpha):
    return forward(x, W1, b1, W2, b2, W3, b3, alpha)

if __name__ == "__main__":
    import jax
    _d = setup_inputs()
    print(jax.jit(kernel)(*tuple(_d.values())))

</pallas_src>

<mosaic_0001>
#map = affine_map<(d0, d1) -> (0, 0, 0, 0)>
#map1 = affine_map<(d0, d1) -> (0)>
module attributes {stable_mosaic.version = 14 : i64} {
  func.func @_pix_body(%arg0: i32, %arg1: i32, %arg2: memref<192x8x64x512xf32, #tpu.memory_space<hbm>>, %arg3: memref<12288xf32, #tpu.memory_space<hbm>>, %arg4: memref<12288xf32, #tpu.memory_space<hbm>>, %arg5: memref<3072xf32, #tpu.memory_space<hbm>>, %arg6: memref<3072xf32, #tpu.memory_space<hbm>>, %arg7: memref<192x8x64x512xf32, #tpu.memory_space<hbm>>, %arg8: memref<384xf32, #tpu.memory_space<vmem>>, %arg9: memref<384xf32, #tpu.memory_space<vmem>>, %arg10: memref<96xf32, #tpu.memory_space<vmem>>, %arg11: memref<96xf32, #tpu.memory_space<vmem>>, %arg12: memref<64x512xf32, #tpu.memory_space<vmem>>, %arg13: memref<64x512xf32, #tpu.memory_space<vmem>>, %arg14: memref<64x512xf32, #tpu.memory_space<vmem>>, %arg15: memref<!tpu.dma_semaphore, #tpu.memory_space<semaphore_mem>>, %arg16: memref<!tpu.dma_semaphore, #tpu.memory_space<semaphore_mem>>, %arg17: memref<!tpu.dma_semaphore, #tpu.memory_space<semaphore_mem>>, %arg18: memref<!tpu.dma_semaphore, #tpu.memory_space<semaphore_mem>>, %arg19: memref<!tpu.dma_semaphore, #tpu.memory_space<semaphore_mem>>, %arg20: memref<!tpu.dma_semaphore, #tpu.memory_space<semaphore_mem>>) attributes {dimension_semantics = [#tpu.dimension_semantics<core_parallel>, #tpu.dimension_semantics<subcore_parallel>], iteration_bounds = array<i64: 2, 16>, scalar_prefetch = 0 : i64, scratch_operands = 13 : i64, tpu.core_type = #tpu.core_type<sc_vector_subcore>, window_params = [{transform_indices = #map}, {transform_indices = #map1}, {transform_indices = #map1}, {transform_indices = #map1}, {transform_indices = #map1}, {transform_indices = #map}]} {
    %mul3A = arith.constant 2 : i32
    %mul3A_0 = arith.muli %arg1, %mul3A : i32
    %add3A = arith.addi %mul3A_0, %arg0 : i32
    %mul3A_1 = arith.constant 6 : i32
    %mul3A_2 = arith.muli %add3A, %mul3A_1 : i32
    %mul3A_3 = arith.constant 64 : i32
    %mul3A_4 = arith.muli %mul3A_2, %mul3A_3 : i32
    "tpu.region"() ({
      %run_scoped3A = tpu.sem_alloc : memref<!tpu.dma_semaphore, #tpu.memory_space<semaphore_mem>>
      %dma_start3A_69 = tpu.memref_slice %arg3[%mul3A_4] : memref<12288xf32, #tpu.memory_space<hbm>> -> memref<384xf32, #tpu.memory_space<hbm>>
      %dma_start3A_70 = tpu.memref_slice %arg3[%mul3A_4] : memref<12288xf32, #tpu.memory_space<hbm>> -> memref<384xf32, #tpu.memory_space<hbm>>
      tpu.enqueue_dma source(%dma_start3A_70 : memref<384xf32, #tpu.memory_space<hbm>>) target(%arg8 : memref<384xf32, #tpu.memory_space<vmem>>) target_semaphore(%run_scoped3A : memref<!tpu.dma_semaphore, #tpu.memory_space<semaphore_mem>>)
      %dma_wait3A_71 = tpu.memref_slice %arg3[%mul3A_4] : memref<12288xf32, #tpu.memory_space<hbm>> -> memref<384xf32, #tpu.memory_space<hbm>>
      %dma_wait3A_72 = tpu.memref_slice %arg3[%mul3A_4] : memref<12288xf32, #tpu.memory_space<hbm>> -> memref<384xf32, #tpu.memory_space<hbm>>
      tpu.wait_dma2 semaphore(%run_scoped3A : memref<!tpu.dma_semaphore, #tpu.memory_space<semaphore_mem>>) src(%dma_wait3A_72 : memref<384xf32, #tpu.memory_space<hbm>>) dst(%arg8 : memref<384xf32, #tpu.memory_space<vmem>>)
      tpu.yield
    }) : () -> ()
    %mul3A_5 = arith.constant 64 : i32
    %mul3A_6 = arith.muli %mul3A_2, %mul3A_5 : i32
    "tpu.region"() ({
      %run_scoped3A = tpu.sem_alloc : memref<!tpu.dma_semaphore, #tpu.memory_space<semaphore_mem>>
      %dma_start3A_69 = tpu.memref_slice %arg4[%mul3A_6] : memref<12288xf32, #tpu.memory_space<hbm>> -> memref<384xf32, #tpu.memory_space<hbm>>
      %dma_start3A_70 = tpu.memref_slice %arg4[%mul3A_6] : memref<12288xf32, #tpu.memory_space<hbm>> -> memref<384xf32, #tpu.memory_space<hbm>>
      tpu.enqueue_dma source(%dma_start3A_70 : memref<384xf32, #tpu.memory_space<hbm>>) target(%arg9 : memref<384xf32, #tpu.memory_space<vmem>>) target_semaphore(%run_scoped3A : memref<!tpu.dma_semaphore, #tpu.memory_space<semaphore_mem>>)
      %dma_wait3A_71 = tpu.memref_slice %arg4[%mul3A_6] : memref<12288xf32, #tpu.memory_space<hbm>> -> memref<384xf32, #tpu.memory_space<hbm>>
      %dma_wait3A_72 = tpu.memref_slice %arg4[%mul3A_6] : memref<12288xf32, #tpu.memory_space<hbm>> -> memref<384xf32, #tpu.memory_space<hbm>>
      tpu.wait_dma2 semaphore(%run_scoped3A : memref<!tpu.dma_semaphore, #tpu.memory_space<semaphore_mem>>) src(%dma_wait3A_72 : memref<384xf32, #tpu.memory_space<hbm>>) dst(%arg9 : memref<384xf32, #tpu.memory_space<vmem>>)
      tpu.yield
    }) : () -> ()
    %mul3A_7 = arith.constant 16 : i32
    %mul3A_8 = arith.muli %mul3A_2, %mul3A_7 : i32
    "tpu.region"() ({
      %run_scoped3A = tpu.sem_alloc : memref<!tpu.dma_semaphore, #tpu.memory_space<semaphore_mem>>
      %dma_start3A_69 = tpu.memref_slice %arg5[%mul3A_8] : memref<3072xf32, #tpu.memory_space<hbm>> -> memref<96xf32, #tpu.memory_space<hbm>>
      %dma_start3A_70 = tpu.memref_slice %arg5[%mul3A_8] : memref<3072xf32, #tpu.memory_space<hbm>> -> memref<96xf32, #tpu.memory_space<hbm>>
      tpu.enqueue_dma source(%dma_start3A_70 : memref<96xf32, #tpu.memory_space<hbm>>) target(%arg10 : memref<96xf32, #tpu.memory_space<vmem>>) target_semaphore(%run_scoped3A : memref<!tpu.dma_semaphore, #tpu.memory_space<semaphore_mem>>)
      %dma_wait3A_71 = tpu.memref_slice %arg5[%mul3A_8] : memref<3072xf32, #tpu.memory_space<hbm>> -> memref<96xf32, #tpu.memory_space<hbm>>
      %dma_wait3A_72 = tpu.memref_slice %arg5[%mul3A_8] : memref<3072xf32, #tpu.memory_space<hbm>> -> memref<96xf32, #tpu.memory_space<hbm>>
      tpu.wait_dma2 semaphore(%run_scoped3A : memref<!tpu.dma_semaphore, #tpu.memory_space<semaphore_mem>>) src(%dma_wait3A_72 : memref<96xf32, #tpu.memory_space<hbm>>) dst(%arg10 : memref<96xf32, #tpu.memory_space<vmem>>)
      tpu.yield
    }) : () -> ()
    %mul3A_9 = arith.constant 16 : i32
    %mul3A_10 = arith.muli %mul3A_2, %mul3A_9 : i32
    "tpu.region"() ({
      %run_scoped3A = tpu.sem_alloc : memref<!tpu.dma_semaphore, #tpu.memory_space<semaphore_mem>>
      %dma_start3A_69 = tpu.memref_slice %arg6[%mul3A_10] : memref<3072xf32, #tpu.memory_space<hbm>> -> memref<96xf32, #tpu.memory_space<hbm>>
      %dma_start3A_70 = tpu.memref_slice %arg6[%mul3A_10] : memref<3072xf32, #tpu.memory_space<hbm>> -> memref<96xf32, #tpu.memory_space<hbm>>
      tpu.enqueue_dma source(%dma_start3A_70 : memref<96xf32, #tpu.memory_space<hbm>>) target(%arg11 : memref<96xf32, #tpu.memory_space<vmem>>) target_semaphore(%run_scoped3A : memref<!tpu.dma_semaphore, #tpu.memory_space<semaphore_mem>>)
      %dma_wait3A_71 = tpu.memref_slice %arg6[%mul3A_10] : memref<3072xf32, #tpu.memory_space<hbm>> -> memref<96xf32, #tpu.memory_space<hbm>>
      %dma_wait3A_72 = tpu.memref_slice %arg6[%mul3A_10] : memref<3072xf32, #tpu.memory_space<hbm>> -> memref<96xf32, #tpu.memory_space<hbm>>
      tpu.wait_dma2 semaphore(%run_scoped3A : memref<!tpu.dma_semaphore, #tpu.memory_space<semaphore_mem>>) src(%dma_wait3A_72 : memref<96xf32, #tpu.memory_space<hbm>>) dst(%arg11 : memref<96xf32, #tpu.memory_space<vmem>>)
      tpu.yield
    }) : () -> ()
    %add3A_11 = arith.constant 0 : i32
    %add3A_12 = arith.addi %mul3A_2, %add3A_11 : i32
    %dma_start3A = arith.constant 0 : i32
    %dma_start3A_13 = arith.constant 0 : i32
    %dma_start3A_14 = arith.constant 0 : i32
    %dma_start3A_15 = tpu.memref_slice %arg2[%add3A_12, %dma_start3A, %dma_start3A_13, %dma_start3A_14] : memref<192x8x64x512xf32, #tpu.memory_space<hbm>> -> memref<1x1x64x512xf32, #tpu.memory_space<hbm>>
    %dma_start3A_16 = tpu.memref_squeeze %dma_start3A_15 : memref<1x1x64x512xf32, #tpu.memory_space<hbm>> -> memref<64x512xf32, #tpu.memory_space<hbm>>
    %dma_start3A_17 = arith.constant 0 : i32
    %dma_start3A_18 = arith.constant 0 : i32
    %dma_start3A_19 = tpu.memref_slice %arg2[%add3A_12, %dma_start3A, %dma_start3A_17, %dma_start3A_18] : memref<192x8x64x512xf32, #tpu.memory_space<hbm>> -> memref<1x1x64x512xf32, #tpu.memory_space<hbm>>
    %dma_start3A_20 = tpu.memref_squeeze %dma_start3A_19 : memref<1x1x64x512xf32, #tpu.memory_space<hbm>> -> memref<64x512xf32, #tpu.memory_space<hbm>>
    tpu.enqueue_dma source(%dma_start3A_20 : memref<64x512xf32, #tpu.memory_space<hbm>>) target(%arg12 : memref<64x512xf32, #tpu.memory_space<vmem>>) target_semaphore(%arg15 : memref<!tpu.dma_semaphore, #tpu.memory_space<semaphore_mem>>)
    %add3A_21 = arith.constant 0 : i32
    %add3A_22 = arith.addi %mul3A_2, %add3A_21 : i32
    %dma_start3A_23 = arith.constant 1 : i32
    %dma_start3A_24 = arith.constant 0 : i32
    %dma_start3A_25 = arith.constant 0 : i32
    %dma_start3A_26 = tpu.memref_slice %arg2[%add3A_22, %dma_start3A_23, %dma_start3A_24, %dma_start3A_25] : memref<192x8x64x512xf32, #tpu.memory_space<hbm>> -> memref<1x1x64x512xf32, #tpu.memory_space<hbm>>
    %dma_start3A_27 = tpu.memref_squeeze %dma_start3A_26 : memref<1x1x64x512xf32, #tpu.memory_space<hbm>> -> memref<64x512xf32, #tpu.memory_space<hbm>>
    %dma_start3A_28 = arith.constant 0 : i32
    %dma_start3A_29 = arith.constant 0 : i32
    %dma_start3A_30 = tpu.memref_slice %arg2[%add3A_22, %dma_start3A_23, %dma_start3A_28, %dma_start3A_29] : memref<192x8x64x512xf32, #tpu.memory_space<hbm>> -> memref<1x1x64x512xf32, #tpu.memory_space<hbm>>
    %dma_start3A_31 = tpu.memref_squeeze %dma_start3A_30 : memref<1x1x64x512xf32, #tpu.memory_space<hbm>> -> memref<64x512xf32, #tpu.memory_space<hbm>>
    tpu.enqueue_dma source(%dma_start3A_31 : memref<64x512xf32, #tpu.memory_space<hbm>>) target(%arg13 : memref<64x512xf32, #tpu.memory_space<vmem>>) target_semaphore(%arg16 : memref<!tpu.dma_semaphore, #tpu.memory_space<semaphore_mem>>)
    %scan3A = arith.constant 0 : i32
    %scan3A_32 = arith.constant 0 : i32
    %scan3A_33 = arith.constant 16 : i32
    %scan3A_34 = arith.addi %scan3A_32, %scan3A_33 : i32
    %scan3A_35 = arith.constant 1 : i32
    scf.for %scan3A_69 = %scan3A_32 to %scan3A_34 step %scan3A_35  : i32 {
      %mul3A_70 = arith.constant 3 : i32
      %mul3A_71 = arith.muli %mul3A_70, %scan3A_69 : i32
      %add3A_72 = arith.constant 0 : i32
      %add3A_73 = arith.addi %mul3A_71, %add3A_72 : i32
      %jit3A = arith.constant 8 : i32
      %div3A = arith.divsi %add3A_73, %jit3A : i32
      %sign3A = arith.constant 0 : i32
      %sign3A_74 = arith.cmpi sgt, %add3A_73, %sign3A : i32
      %sign3A_75 = arith.extui %sign3A_74 : i1 to i32
      %sign3A_76 = arith.constant 0 : i32
      %sign3A_77 = arith.cmpi slt, %add3A_73, %sign3A_76 : i32
      %sign3A_78 = arith.extui %sign3A_77 : i1 to i32
      %sign3A_79 = arith.subi %sign3A_75, %sign3A_78 : i32
      %sign3A_80 = arith.constant 0 : i32
      %sign3A_81 = arith.cmpi sgt, %jit3A, %sign3A_80 : i32
      %sign3A_82 = arith.extui %sign3A_81 : i1 to i32
      %sign3A_83 = arith.constant 0 : i32
      %sign3A_84 = arith.cmpi slt, %jit3A, %sign3A_83 : i32
      %sign3A_85 = arith.extui %sign3A_84 : i1 to i32
      %sign3A_86 = arith.subi %sign3A_82, %sign3A_85 : i32
      %ne3A = arith.cmpi ne, %sign3A_79, %sign3A_86 : i32
      %rem3A = arith.remsi %add3A_73, %jit3A : i32
      %ne3A_87 = arith.constant 0 : i32
      %ne3A_88 = arith.cmpi ne, %rem3A, %ne3A_87 : i32
      %and3A = arith.andi %ne3A, %ne3A_88 : i1
      %sub3A = arith.constant 1 : i32
      %sub3A_89 = arith.subi %div3A, %sub3A : i32
      %select_n3A = arith.select %and3A, %sub3A_89, %div3A : i32
      %add3A_90 = arith.addi %mul3A_2, %select_n3A : i32
      %jit3A_91 = arith.constant 8 : i32
      %eq3A = arith.constant 0 : i32
      %eq3A_92 = arith.cmpi eq, %jit3A_91, %eq3A : i32
      %jit3A_93 = arith.constant 1 : i32
      %select_n3A_94 = arith.select %eq3A_92, %jit3A_93, %jit3A_91 : i32
      %rem3A_95 = arith.remsi %add3A_73, %select_n3A_94 : i32
      %ne3A_96 = arith.constant 0 : i32
      %ne3A_97 = arith.cmpi ne, %rem3A_95, %ne3A_96 : i32
      %lt3A = arith.constant 0 : i32
      %lt3A_98 = arith.cmpi slt, %rem3A_95, %lt3A : i32
      %lt3A_99 = arith.constant 0 : i32
      %lt3A_100 = arith.cmpi slt, %select_n3A_94, %lt3A_99 : i32
      %ne3A_101 = arith.xori %lt3A_98, %lt3A_100 : i1
      %and3A_102 = arith.andi %ne3A_101, %ne3A_97 : i1
      %add3A_103 = arith.addi %rem3A_95, %select_n3A_94 : i32
      %select_n3A_104 = arith.select %and3A_102, %add3A_103, %rem3A_95 : i32
      %dma_wait3A_105 = arith.constant 0 : i32
      %dma_wait3A_106 = arith.constant 0 : i32
      %dma_wait3A_107 = tpu.memref_slice %arg2[%add3A_90, %select_n3A_104, %dma_wait3A_105, %dma_wait3A_106] : memref<192x8x64x512xf32, #tpu.memory_space<hbm>> -> memref<1x1x64x512xf32, #tpu.memory_space<hbm>>
      %dma_wait3A_108 = tpu.memref_squeeze %dma_wait3A_107 : memref<1x1x64x512xf32, #tpu.memory_space<hbm>> -> memref<64x512xf32, #tpu.memory_space<hbm>>
      %dma_wait3A_109 = arith.constant 0 : i32
      %dma_wait3A_110 = arith.constant 0 : i32
      %dma_wait3A_111 = tpu.memref_slice %arg2[%add3A_90, %select_n3A_104, %dma_wait3A_109, %dma_wait3A_110] : memref<192x8x64x512xf32, #tpu.memory_space<hbm>> -> memref<1x1x64x512xf32, #tpu.memory_space<hbm>>
      %dma_wait3A_112 = tpu.memref_squeeze %dma_wait3A_111 : memref<1x1x64x512xf32, #tpu.memory_space<hbm>> -> memref<64x512xf32, #tpu.memory_space<hbm>>
      tpu.wait_dma2 semaphore(%arg15 : memref<!tpu.dma_semaphore, #tpu.memory_space<semaphore_mem>>) src(%dma_wait3A_112 : memref<64x512xf32, #tpu.memory_space<hbm>>) dst(%arg12 : memref<64x512xf32, #tpu.memory_space<vmem>>)
      %jit3A_113 = arith.constant 8 : i32
      %div3A_114 = arith.divsi %add3A_73, %jit3A_113 : i32
      %sign3A_115 = arith.constant 0 : i32
      %sign3A_116 = arith.cmpi sgt, %add3A_73, %sign3A_115 : i32
      %sign3A_117 = arith.extui %sign3A_116 : i1 to i32
      %sign3A_118 = arith.constant 0 : i32
      %sign3A_119 = arith.cmpi slt, %add3A_73, %sign3A_118 : i32
      %sign3A_120 = arith.extui %sign3A_119 : i1 to i32
      %sign3A_121 = arith.subi %sign3A_117, %sign3A_120 : i32
      %sign3A_122 = arith.constant 0 : i32
      %sign3A_123 = arith.cmpi sgt, %jit3A_113, %sign3A_122 : i32
      %sign3A_124 = arith.extui %sign3A_123 : i1 to i32
      %sign3A_125 = arith.constant 0 : i32
      %sign3A_126 = arith.cmpi slt, %jit3A_113, %sign3A_125 : i32
      %sign3A_127 = arith.extui %sign3A_126 : i1 to i32
      %sign3A_128 = arith.subi %sign3A_124, %sign3A_127 : i32
      %ne3A_129 = arith.cmpi ne, %sign3A_121, %sign3A_128 : i32
      %rem3A_130 = arith.remsi %add3A_73, %jit3A_113 : i32
      %ne3A_131 = arith.constant 0 : i32
      %ne3A_132 = arith.cmpi ne, %rem3A_130, %ne3A_131 : i32
      %and3A_133 = arith.andi %ne3A_129, %ne3A_132 : i1
      %sub3A_134 = arith.constant 1 : i32
      %sub3A_135 = arith.subi %div3A_114, %sub3A_134 : i32
      %select_n3A_136 = arith.select %and3A_133, %sub3A_135, %div3A_114 : i32
      %mul3A_137 = arith.constant 16 : i32
      %mul3A_138 = arith.muli %select_n3A_136, %mul3A_137 : i32
      %get3A = arith.index_cast %mul3A_138 : i32 to index
      %get3A_139 = tpu.vector_load %arg10[%get3A] {strides = array<i32>} : memref<96xf32, #tpu.memory_space<vmem>>, vector<16xf32>,
      %mul3A_140 = arith.constant 16 : i32
      %mul3A_141 = arith.muli %select_n3A_136, %mul3A_140 : i32
      %get3A_142 = arith.index_cast %mul3A_141 : i32 to index
      %get3A_143 = tpu.vector_load %arg11[%get3A_142] {strides = array<i32>} : memref<96xf32, #tpu.memory_space<vmem>>, vector<16xf32>,
      %mul3A_144 = arith.constant 64 : i32
      %mul3A_145 = arith.muli %select_n3A_136, %mul3A_144 : i32
      %mul3A_146 = arith.constant 64 : i32
      %mul3A_147 = arith.muli %select_n3A_136, %mul3A_146 : i32
      %parallel_loop3A = arith.constant 0 : i32
      %parallel_loop3A_148 = arith.constant 32768 : i32
      %parallel_loop3A_149 = arith.constant 16 : i32
      scf.for %parallel_loop3A_500 = %parallel_loop3A to %parallel_loop3A_148 step %parallel_loop3A_149  : i32 {
        %parallel_loop3A_501 = arith.constant 512 : i32
        %parallel_loop3A_502 = arith.divsi %parallel_loop3A_500, %parallel_loop3A_501 : i32
        %parallel_loop3A_503 = arith.constant 0 : i32
        %parallel_loop3A_504 = arith.cmpi sgt, %parallel_loop3A_500, %parallel_loop3A_503 : i32
        %parallel_loop3A_505 = arith.extui %parallel_loop3A_504 : i1 to i32
        %parallel_loop3A_506 = arith.constant 0 : i32
        %parallel_loop3A_507 = arith.cmpi slt, %parallel_loop3A_500, %parallel_loop3A_506 : i32
        %parallel_loop3A_508 = arith.extui %parallel_loop3A_507 : i1 to i32
        %parallel_loop3A_509 = arith.subi %parallel_loop3A_505, %parallel_loop3A_508 : i32
        %parallel_loop3A_510 = arith.constant 0 : i32
        %parallel_loop3A_511 = arith.cmpi sgt, %parallel_loop3A_501, %parallel_loop3A_510 : i32
        %parallel_loop3A_512 = arith.extui %parallel_loop3A_511 : i1 to i32
        %parallel_loop3A_513 = arith.constant 0 : i32
        %parallel_loop3A_514 = arith.cmpi slt, %parallel_loop3A_501, %parallel_loop3A_513 : i32
        %parallel_loop3A_515 = arith.extui %parallel_loop3A_514 : i1 to i32
        %parallel_loop3A_516 = arith.subi %parallel_loop3A_512, %parallel_loop3A_515 : i32
        %parallel_loop3A_517 = arith.cmpi ne, %parallel_loop3A_509, %parallel_loop3A_516 : i32
        %parallel_loop3A_518 = arith.remsi %parallel_loop3A_500, %parallel_loop3A_501 : i32
        %parallel_loop3A_519 = arith.constant 0 : i32
        %parallel_loop3A_520 = arith.cmpi ne, %parallel_loop3A_518, %parallel_loop3A_519 : i32
        %parallel_loop3A_521 = arith.andi %parallel_loop3A_517, %parallel_loop3A_520 : i1
        %parallel_loop3A_522 = arith.constant 1 : i32
        %parallel_loop3A_523 = arith.subi %parallel_loop3A_502, %parallel_loop3A_522 : i32
        %parallel_loop3A_524 = arith.select %parallel_loop3A_521, %parallel_loop3A_523, %parallel_loop3A_502 : i32
        %parallel_loop3A_525 = arith.constant 512 : i32
        %parallel_loop3A_526 = arith.constant 0 : i32
        %parallel_loop3A_527 = arith.cmpi eq, %parallel_loop3A_525, %parallel_loop3A_526 : i32
        %parallel_loop3A_528 = arith.constant 1 : i32
        %parallel_loop3A_529 = arith.select %parallel_loop3A_527, %parallel_loop3A_528, %parallel_loop3A_525 : i32
        %parallel_loop3A_530 = arith.remsi %parallel_loop3A_500, %parallel_loop3A_529 : i32
        %parallel_loop3A_531 = arith.constant 0 : i32
        %parallel_loop3A_532 = arith.cmpi ne, %parallel_loop3A_530, %parallel_loop3A_531 : i32
        %parallel_loop3A_533 = arith.constant 0 : i32
        %parallel_loop3A_534 = arith.cmpi slt, %parallel_loop3A_530, %parallel_loop3A_533 : i32
        %parallel_loop3A_535 = arith.constant 0 : i32
        %parallel_loop3A_536 = arith.cmpi slt, %parallel_loop3A_529, %parallel_loop3A_535 : i32
        %parallel_loop3A_537 = arith.xori %parallel_loop3A_534, %parallel_loop3A_536 : i1
        %parallel_loop3A_538 = arith.andi %parallel_loop3A_537, %parallel_loop3A_532 : i1
        %parallel_loop3A_539 = arith.addi %parallel_loop3A_530, %parallel_loop3A_529 : i32
        %parallel_loop3A_540 = arith.select %parallel_loop3A_538, %parallel_loop3A_539, %parallel_loop3A_530 : i32
        %parallel_loop3A_541 = arith.index_cast %parallel_loop3A_524 : i32 to index
        %parallel_loop3A_542 = arith.index_cast %parallel_loop3A_540 : i32 to index
        %parallel_loop3A_543 = tpu.vector_load %arg12[%parallel_loop3A_541, %parallel_loop3A_542] {strides = array<i32>} : memref<64x512xf32, #tpu.memory_space<vmem>>, vector<16xf32>,
        %parallel_loop3A_544 = arith.mulf %parallel_loop3A_543, %get3A_139 : vector<16xf32>
        %parallel_loop3A_545 = arith.addf %parallel_loop3A_544, %get3A_143 : vector<16xf32>
        %parallel_loop3A_546 = arith.fptosi %parallel_loop3A_545 : vector<16xf32> to vector<16xi32>
        %parallel_loop3A_547 = arith.sitofp %parallel_loop3A_546 : vector<16xi32> to vector<16xf32>
        %parallel_loop3A_548 = arith.subf %parallel_loop3A_545, %parallel_loop3A_547 : vector<16xf32>
        %parallel_loop3A_549 = tpu.memref_slice %arg8[%mul3A_145] : memref<384xf32, #tpu.memory_space<vmem>> -> memref<64xf32, #tpu.memory_space<vmem>>
        %parallel_loop3A_550 = tpu.vector_load_idx %parallel_loop3A_549[%parallel_loop3A_546] : memref<64xf32, #tpu.memory_space<vmem>>[vector<16xi32>], vector<16xf32>,
        %parallel_loop3A_551 = tpu.memref_slice %arg9[%mul3A_147] : memref<384xf32, #tpu.memory_space<vmem>> -> memref<64xf32, #tpu.memory_space<vmem>>
        %parallel_loop3A_552 = tpu.vector_load_idx %parallel_loop3A_551[%parallel_loop3A_546] : memref<64xf32, #tpu.memory_space<vmem>>[vector<16xi32>], vector<16xf32>,
        %parallel_loop3A_553 = arith.mulf %parallel_loop3A_548, %parallel_loop3A_552 : vector<16xf32>
        %parallel_loop3A_554 = arith.addf %parallel_loop3A_550, %parallel_loop3A_553 : vector<16xf32>
        %parallel_loop3A_555 = arith.index_cast %parallel_loop3A_524 : i32 to index
        %parallel_loop3A_556 = arith.index_cast %parallel_loop3A_540 : i32 to index
        %parallel_loop3A_557 = tpu.vector_load %arg12[%parallel_loop3A_555, %parallel_loop3A_556] {strides = array<i32>} : memref<64x512xf32, #tpu.memory_space<vmem>>, vector<16xf32>,
        tpu.vector_store %arg12[%parallel_loop3A_555, %parallel_loop3A_556], %parallel_loop3A_554 {strides = array<i32>} : memref<64x512xf32, #tpu.memory_space<vmem>>, vector<16xf32>,
      } {sc.loop_unroll_factor = 8 : i64, sc.parallel_access}
      %jit3A_150 = arith.constant 8 : i32
      %div3A_151 = arith.divsi %add3A_73, %jit3A_150 : i32
      %sign3A_152 = arith.constant 0 : i32
      %sign3A_153 = arith.cmpi sgt, %add3A_73, %sign3A_152 : i32
      %sign3A_154 = arith.extui %sign3A_153 : i1 to i32
      %sign3A_155 = arith.constant 0 : i32
      %sign3A_156 = arith.cmpi slt, %add3A_73, %sign3A_155 : i32
      %sign3A_157 = arith.extui %sign3A_156 : i1 to i32
      %sign3A_158 = arith.subi %sign3A_154, %sign3A_157 : i32
      %sign3A_159 = arith.constant 0 : i32
      %sign3A_160 = arith.cmpi sgt, %jit3A_150, %sign3A_159 : i32
      %sign3A_161 = arith.extui %sign3A_160 : i1 to i32
      %sign3A_162 = arith.constant 0 : i32
      %sign3A_163 = arith.cmpi slt, %jit3A_150, %sign3A_162 : i32
      %sign3A_164 = arith.extui %sign3A_163 : i1 to i32
      %sign3A_165 = arith.subi %sign3A_161, %sign3A_164 : i32
      %ne3A_166 = arith.cmpi ne, %sign3A_158, %sign3A_165 : i32
      %rem3A_167 = arith.remsi %add3A_73, %jit3A_150 : i32
      %ne3A_168 = arith.constant 0 : i32
      %ne3A_169 = arith.cmpi ne, %rem3A_167, %ne3A_168 : i32
      %and3A_170 = arith.andi %ne3A_166, %ne3A_169 : i1
      %sub3A_171 = arith.constant 1 : i32
      %sub3A_172 = arith.subi %div3A_151, %sub3A_171 : i32
      %select_n3A_173 = arith.select %and3A_170, %sub3A_172, %div3A_151 : i32
      %add3A_174 = arith.addi %mul3A_2, %select_n3A_173 : i32
      %jit3A_175 = arith.constant 8 : i32
      %eq3A_176 = arith.constant 0 : i32
      %eq3A_177 = arith.cmpi eq, %jit3A_175, %eq3A_176 : i32
      %jit3A_178 = arith.constant 1 : i32
      %select_n3A_179 = arith.select %eq3A_177, %jit3A_178, %jit3A_175 : i32
      %rem3A_180 = arith.remsi %add3A_73, %select_n3A_179 : i32
      %ne3A_181 = arith.constant 0 : i32
      %ne3A_182 = arith.cmpi ne, %rem3A_180, %ne3A_181 : i32
      %lt3A_183 = arith.constant 0 : i32
      %lt3A_184 = arith.cmpi slt, %rem3A_180, %lt3A_183 : i32
      %lt3A_185 = arith.constant 0 : i32
      %lt3A_186 = arith.cmpi slt, %select_n3A_179, %lt3A_185 : i32
      %ne3A_187 = arith.xori %lt3A_184, %lt3A_186 : i1
      %and3A_188 = arith.andi %ne3A_187, %ne3A_182 : i1
      %add3A_189 = arith.addi %rem3A_180, %select_n3A_179 : i32
      %select_n3A_190 = arith.select %and3A_188, %add3A_189, %rem3A_180 : i32
      %dma_start3A_191 = arith.constant 0 : i32
      %dma_start3A_192 = arith.constant 0 : i32
      %dma_start3A_193 = tpu.memref_slice %arg7[%add3A_174, %select_n3A_190, %dma_start3A_191, %dma_start3A_192] : memref<192x8x64x512xf32, #tpu.memory_space<hbm>> -> memref<1x1x64x512xf32, #tpu.memory_space<hbm>>
      %dma_start3A_194 = tpu.memref_squeeze %dma_start3A_193 : memref<1x1x64x512xf32, #tpu.memory_space<hbm>> -> memref<64x512xf32, #tpu.memory_space<hbm>>
      %dma_start3A_195 = arith.constant 0 : i32
      %dma_start3A_196 = arith.constant 0 : i32
      %dma_start3A_197 = tpu.memref_slice %arg7[%add3A_174, %select_n3A_190, %dma_start3A_195, %dma_start3A_196] : memref<192x8x64x512xf32, #tpu.memory_space<hbm>> -> memref<1x1x64x512xf32, #tpu.memory_space<hbm>>
      %dma_start3A_198 = tpu.memref_squeeze %dma_start3A_197 : memref<1x1x64x512xf32, #tpu.memory_space<hbm>> -> memref<64x512xf32, #tpu.memory_space<hbm>>
      tpu.enqueue_dma source(%arg12 : memref<64x512xf32, #tpu.memory_space<vmem>>) target(%dma_start3A_198 : memref<64x512xf32, #tpu.memory_space<hbm>>) target_semaphore(%arg18 : memref<!tpu.dma_semaphore, #tpu.memory_space<semaphore_mem>>)
      %add3A_199 = arith.constant 2 : i32
      %add3A_200 = arith.addi %add3A_73, %add3A_199 : i32
      %lt3A_201 = arith.constant 48 : i32
      %lt3A_202 = arith.cmpi slt, %add3A_200, %lt3A_201 : i32
      %convert_element_type3A = arith.extui %lt3A_202 : i1 to i32
      %cond3A = arith.constant 0 : i32
      %cond3A_203 = arith.cmpi ne, %convert_element_type3A, %cond3A : i32
      scf.if %cond3A_203 {
        %ge3A = arith.constant 1 : i32
        %ge3A_500 = arith.cmpi sge, %add3A_73, %ge3A : i32
        %convert_element_type3A_501 = arith.extui %ge3A_500 : i1 to i32
        %cond3A_502 = arith.constant 0 : i32
        %cond3A_503 = arith.cmpi ne, %convert_element_type3A_501, %cond3A_502 : i32
        scf.if %cond3A_503 {
          %sub3A_555 = arith.constant 1 : i32
          %sub3A_556 = arith.subi %add3A_73, %sub3A_555 : i32
          %jit3A_557 = arith.constant 8 : i32
          %div3A_558 = arith.divsi %sub3A_556, %jit3A_557 : i32
          %sign3A_559 = arith.constant 0 : i32
          %sign3A_560 = arith.cmpi sgt, %sub3A_556, %sign3A_559 : i32
          %sign3A_561 = arith.extui %sign3A_560 : i1 to i32
          %sign3A_562 = arith.constant 0 : i32
          %sign3A_563 = arith.cmpi slt, %sub3A_556, %sign3A_562 : i32
          %sign3A_564 = arith.extui %sign3A_563 : i1 to i32
          %sign3A_565 = arith.subi %sign3A_561, %sign3A_564 : i32
          %sign3A_566 = arith.constant 0 : i32
          %sign3A_567 = arith.cmpi sgt, %jit3A_557, %sign3A_566 : i32
          %sign3A_568 = arith.extui %sign3A_567 : i1 to i32
          %sign3A_569 = arith.constant 0 : i32
          %sign3A_570 = arith.cmpi slt, %jit3A_557, %sign3A_569 : i32
          %sign3A_571 = arith.extui %sign3A_570 : i1 to i32
          %sign3A_572 = arith.subi %sign3A_568, %sign3A_571 : i32
          %ne3A_573 = arith.cmpi ne, %sign3A_565, %sign3A_572 : i32
          %rem3A_574 = arith.remsi %sub3A_556, %jit3A_557 : i32
          %ne3A_575 = arith.constant 0 : i32
          %ne3A_576 = arith.cmpi ne, %rem3A_574, %ne3A_575 : i32
          %and3A_577 = arith.andi %ne3A_573, %ne3A_576 : i1
          %sub3A_578 = arith.constant 1 : i32
          %sub3A_579 = arith.subi %div3A_558, %sub3A_578 : i32
          %select_n3A_580 = arith.select %and3A_577, %sub3A_579, %div3A_558 : i32
          %add3A_581 = arith.addi %mul3A_2, %select_n3A_580 : i32
          %jit3A_582 = arith.constant 8 : i32
          %eq3A_583 = arith.constant 0 : i32
          %eq3A_584 = arith.cmpi eq, %jit3A_582, %eq3A_583 : i32
          %jit3A_585 = arith.constant 1 : i32
          %select_n3A_586 = arith.select %eq3A_584, %jit3A_585, %jit3A_582 : i32
          %rem3A_587 = arith.remsi %sub3A_556, %select_n3A_586 : i32
          %ne3A_588 = arith.constant 0 : i32
          %ne3A_589 = arith.cmpi ne, %rem3A_587, %ne3A_588 : i32
          %lt3A_590 = arith.constant 0 : i32
          %lt3A_591 = arith.cmpi slt, %rem3A_587, %lt3A_590 : i32
          %lt3A_592 = arith.constant 0 : i32
          %lt3A_593 = arith.cmpi slt, %select_n3A_586, %lt3A_592 : i32
          %ne3A_594 = arith.xori %lt3A_591, %lt3A_593 : i1
          %and3A_595 = arith.andi %ne3A_594, %ne3A_589 : i1
          %add3A_596 = arith.addi %rem3A_587, %select_n3A_586 : i32
          %select_n3A_597 = arith.select %and3A_595, %add3A_596, %rem3A_587 : i32
          %dma_wait3A_598 = arith.constant 0 : i32
          %dma_wait3A_599 = arith.constant 0 : i32
          %dma_wait3A_600 = tpu.memref_slice %arg7[%add3A_581, %select_n3A_597, %dma_wait3A_598, %dma_wait3A_599] : memref<192x8x64x512xf32, #tpu.memory_space<hbm>> -> memref<1x1x64x512xf32, #tpu.memory_space<hbm>>
          %dma_wait3A_601 = tpu.memref_squeeze %dma_wait3A_600 : memref<1x1x64x512xf32, #tpu.memory_space<hbm>> -> memref<64x512xf32, #tpu.memory_space<hbm>>
          %dma_wait3A_602 = arith.constant 0 : i32
          %dma_wait3A_603 = arith.constant 0 : i32
          %dma_wait3A_604 = tpu.memref_slice %arg7[%add3A_581, %select_n3A_597, %dma_wait3A_602, %dma_wait3A_603] : memref<192x8x64x512xf32, #tpu.memory_space<hbm>> -> memref<1x1x64x512xf32, #tpu.memory_space<hbm>>
          %dma_wait3A_605 = tpu.memref_squeeze %dma_wait3A_604 : memref<1x1x64x512xf32, #tpu.memory_space<hbm>> -> memref<64x512xf32, #tpu.memory_space<hbm>>
          tpu.wait_dma2 semaphore(%arg20 : memref<!tpu.dma_semaphore, #tpu.memory_space<semaphore_mem>>) src(%arg14 : memref<64x512xf32, #tpu.memory_space<vmem>>) dst(%dma_wait3A_605 : memref<64x512xf32, #tpu.memory_space<hbm>>)
        } else {
        }
        %add3A_504 = arith.constant 2 : i32
        %add3A_505 = arith.addi %add3A_73, %add3A_504 : i32
        %jit3A_506 = arith.constant 8 : i32
        %div3A_507 = arith.divsi %add3A_505, %jit3A_506 : i32
        %sign3A_508 = arith.constant 0 : i32
        %sign3A_509 = arith.cmpi sgt, %add3A_505, %sign3A_508 : i32
        %sign3A_510 = arith.extui %sign3A_509 : i1 to i32
        %sign3A_511 = arith.constant 0 : i32
        %sign3A_512 = arith.cmpi slt, %add3A_505, %sign3A_511 : i32
        %sign3A_513 = arith.extui %sign3A_512 : i1 to i32
        %sign3A_514 = arith.subi %sign3A_510, %sign3A_513 : i32
        %sign3A_515 = arith.constant 0 : i32
        %sign3A_516 = arith.cmpi sgt, %jit3A_506, %sign3A_515 : i32
        %sign3A_517 = arith.extui %sign3A_516 : i1 to i32
        %sign3A_518 = arith.constant 0 : i32
        %sign3A_519 = arith.cmpi slt, %jit3A_506, %sign3A_518 : i32
        %sign3A_520 = arith.extui %sign3A_519 : i1 to i32
        %sign3A_521 = arith.subi %sign3A_517, %sign3A_520 : i32
        %ne3A_522 = arith.cmpi ne, %sign3A_514, %sign3A_521 : i32
        %rem3A_523 = arith.remsi %add3A_505, %jit3A_506 : i32
        %ne3A_524 = arith.constant 0 : i32
        %ne3A_525 = arith.cmpi ne, %rem3A_523, %ne3A_524 : i32
        %and3A_526 = arith.andi %ne3A_522, %ne3A_525 : i1
        %sub3A_527 = arith.constant 1 : i32
        %sub3A_528 = arith.subi %div3A_507, %sub3A_527 : i32
        %select_n3A_529 = arith.select %and3A_526, %sub3A_528, %div3A_507 : i32
        %add3A_530 = arith.addi %mul3A_2, %select_n3A_529 : i32
        %jit3A_531 = arith.constant 8 : i32
        %eq3A_532 = arith.constant 0 : i32
        %eq3A_533 = arith.cmpi eq, %jit3A_531, %eq3A_532 : i32
        %jit3A_534 = arith.constant 1 : i32
        %select_n3A_535 = arith.select %eq3A_533, %jit3A_534, %jit3A_531 : i32
        %rem3A_536 = arith.remsi %add3A_505, %select_n3A_535 : i32
        %ne3A_537 = arith.constant 0 : i32
        %ne3A_538 = arith.cmpi ne, %rem3A_536, %ne3A_537 : i32
        %lt3A_539 = arith.constant 0 : i32
        %lt3A_540 = arith.cmpi slt, %rem3A_536, %lt3A_539 : i32
        %lt3A_541 = arith.constant 0 : i32
        %lt3A_542 = arith.cmpi slt, %select_n3A_535, %lt3A_541 : i32
        %ne3A_543 = arith.xori %lt3A_540, %lt3A_542 : i1
        %and3A_544 = arith.andi %ne3A_543, %ne3A_538 : i1
        %add3A_545 = arith.addi %rem3A_536, %select_n3A_535 : i32
        %select_n3A_546 = arith.select %and3A_544, %add3A_545, %rem3A_536 : i32
        %dma_start3A_547 = arith.constant 0 : i32
        %dma_start3A_548 = arith.constant 0 : i32
        %dma_start3A_549 = tpu.memref_slice %arg2[%add3A_530, %select_n3A_546, %dma_start3A_547, %dma_start3A_548] : memref<192x8x64x512xf32, #tpu.memory_space<hbm>> -> memref<1x1x64x512xf32, #tpu.memory_space<hbm>>
        %dma_start3A_550 = tpu.memref_squeeze %dma_start3A_549 : memref<1x1x64x512xf32, #tpu.memory_space<hbm>> -> memref<64x512xf32, #tpu.memory_space<hbm>>
        %dma_start3A_551 = arith.constant 0 : i32
        %dma_start3A_552 = arith.constant 0 : i32
        %dma_start3A_553 = tpu.memref_slice %arg2[%add3A_530, %select_n3A_546, %dma_start3A_551, %dma_start3A_552] : memref<192x8x64x512xf32, #tpu.memory_space<hbm>> -> memref<1x1x64x512xf32, #tpu.memory_space<hbm>>
        %dma_start3A_554 = tpu.memref_squeeze %dma_start3A_553 : memref<1x1x64x512xf32, #tpu.memory_space<hbm>> -> memref<64x512xf32, #tpu.memory_space<hbm>>
        tpu.enqueue_dma source(%dma_start3A_554 : memref<64x512xf32, #tpu.memory_space<hbm>>) target(%arg14 : memref<64x512xf32, #tpu.memory_space<vmem>>) target_semaphore(%arg17 : memref<!tpu.dma_semaphore, #tpu.memory_space<semaphore_mem>>)
      } else {
      }
      %mul3A_204 = arith.constant 3 : i32
      %mul3A_205 = arith.muli %mul3A_204, %scan3A_69 : i32
      %add3A_206 = arith.constant 1 : i32
      %add3A_207 = arith.addi %mul3A_205, %add3A_206 : i32
      %jit3A_208 = arith.constant 8 : i32
      %div3A_209 = arith.divsi %add3A_207, %jit3A_208 : i32
      %sign3A_210 = arith.constant 0 : i32
      %sign3A_211 = arith.cmpi sgt, %add3A_207, %sign3A_210 : i32
      %sign3A_212 = arith.extui %sign3A_211 : i1 to i32
      %sign3A_213 = arith.constant 0 : i32
      %sign3A_214 = arith.cmpi slt, %add3A_207, %sign3A_213 : i32
      %sign3A_215 = arith.extui %sign3A_214 : i1 to i32
      %sign3A_216 = arith.subi %sign3A_212, %sign3A_215 : i32
      %sign3A_217 = arith.constant 0 : i32
      %sign3A_218 = arith.cmpi sgt, %jit3A_208, %sign3A_217 : i32
      %sign3A_219 = arith.extui %sign3A_218 : i1 to i32
      %sign3A_220 = arith.constant 0 : i32
      %sign3A_221 = arith.cmpi slt, %jit3A_208, %sign3A_220 : i32
      %sign3A_222 = arith.extui %sign3A_221 : i1 to i32
      %sign3A_223 = arith.subi %sign3A_219, %sign3A_222 : i32
      %ne3A_224 = arith.cmpi ne, %sign3A_216, %sign3A_223 : i32
      %rem3A_225 = arith.remsi %add3A_207, %jit3A_208 : i32
      %ne3A_226 = arith.constant 0 : i32
      %ne3A_227 = arith.cmpi ne, %rem3A_225, %ne3A_226 : i32
      %and3A_228 = arith.andi %ne3A_224, %ne3A_227 : i1
      %sub3A_229 = arith.constant 1 : i32
      %sub3A_230 = arith.subi %div3A_209, %sub3A_229 : i32
      %select_n3A_231 = arith.select %and3A_228, %sub3A_230, %div3A_209 : i32
      %add3A_232 = arith.addi %mul3A_2, %select_n3A_231 : i32
      %jit3A_233 = arith.constant 8 : i32
      %eq3A_234 = arith.constant 0 : i32
      %eq3A_235 = arith.cmpi eq, %jit3A_233, %eq3A_234 : i32
      %jit3A_236 = arith.constant 1 : i32
      %select_n3A_237 = arith.select %eq3A_235, %jit3A_236, %jit3A_233 : i32
      %rem3A_238 = arith.remsi %add3A_207, %select_n3A_237 : i32
      %ne3A_239 = arith.constant 0 : i32
      %ne3A_240 = arith.cmpi ne, %rem3A_238, %ne3A_239 : i32
      %lt3A_241 = arith.constant 0 : i32
      %lt3A_242 = arith.cmpi slt, %rem3A_238, %lt3A_241 : i32
      %lt3A_243 = arith.constant 0 : i32
      %lt3A_244 = arith.cmpi slt, %select_n3A_237, %lt3A_243 : i32
      %ne3A_245 = arith.xori %lt3A_242, %lt3A_244 : i1
      %and3A_246 = arith.andi %ne3A_245, %ne3A_240 : i1
      %add3A_247 = arith.addi %rem3A_238, %select_n3A_237 : i32
      %select_n3A_248 = arith.select %and3A_246, %add3A_247, %rem3A_238 : i32
      %dma_wait3A_249 = arith.constant 0 : i32
      %dma_wait3A_250 = arith.constant 0 : i32
      %dma_wait3A_251 = tpu.memref_slice %arg2[%add3A_232, %select_n3A_248, %dma_wait3A_249, %dma_wait3A_250] : memref<192x8x64x512xf32, #tpu.memory_space<hbm>> -> memref<1x1x64x512xf32, #tpu.memory_space<hbm>>
      %dma_wait3A_252 = tpu.memref_squeeze %dma_wait3A_251 : memref<1x1x64x512xf32, #tpu.memory_space<hbm>> -> memref<64x512xf32, #tpu.memory_space<hbm>>
      %dma_wait3A_253 = arith.constant 0 : i32
      %dma_wait3A_254 = arith.constant 0 : i32
      %dma_wait3A_255 = tpu.memref_slice %arg2[%add3A_232, %select_n3A_248, %dma_wait3A_253, %dma_wait3A_254] : memref<192x8x64x512xf32, #tpu.memory_space<hbm>> -> memref<1x1x64x512xf32, #tpu.memory_space<hbm>>
      %dma_wait3A_256 = tpu.memref_squeeze %dma_wait3A_255 : memref<1x1x64x512xf32, #tpu.memory_space<hbm>> -> memref<64x512xf32, #tpu.memory_space<hbm>>
      tpu.wait_dma2 semaphore(%arg16 : memref<!tpu.dma_semaphore, #tpu.memory_space<semaphore_mem>>) src(%dma_wait3A_256 : memref<64x512xf32, #tpu.memory_space<hbm>>) dst(%arg13 : memref<64x512xf32, #tpu.memory_space<vmem>>)
      %jit3A_257 = arith.constant 8 : i32
      %div3A_258 = arith.divsi %add3A_207, %jit3A_257 : i32
      %sign3A_259 = arith.constant 0 : i32
      %sign3A_260 = arith.cmpi sgt, %add3A_207, %sign3A_259 : i32
      %sign3A_261 = arith.extui %sign3A_260 : i1 to i32
      %sign3A_262 = arith.constant 0 : i32
      %sign3A_263 = arith.cmpi slt, %add3A_207, %sign3A_262 : i32
      %sign3A_264 = arith.extui %sign3A_263 : i1 to i32
      %sign3A_265 = arith.subi %sign3A_261, %sign3A_264 : i32
      %sign3A_266 = arith.constant 0 : i32
      %sign3A_267 = arith.cmpi sgt, %jit3A_257, %sign3A_266 : i32
      %sign3A_268 = arith.extui %sign3A_267 : i1 to i32
      %sign3A_269 = arith.constant 0 : i32
      %sign3A_270 = arith.cmpi slt, %jit3A_257, %sign3A_269 : i32
      %sign3A_271 = arith.extui %sign3A_270 : i1 to i32
      %sign3A_272 = arith.subi %sign3A_268, %sign3A_271 : i32
      %ne3A_273 = arith.cmpi ne, %sign3A_265, %sign3A_272 : i32
      %rem3A_274 = arith.remsi %add3A_207, %jit3A_257 : i32
      %ne3A_275 = arith.constant 0 : i32
      %ne3A_276 = arith.cmpi ne, %rem3A_274, %ne3A_275 : i32
      %and3A_277 = arith.andi %ne3A_273, %ne3A_276 : i1
      %sub3A_278 = arith.constant 1 : i32
      %sub3A_279 = arith.subi %div3A_258, %sub3A_278 : i32
      %select_n3A_280 = arith.select %and3A_277, %sub3A_279, %div3A_258 : i32
      %mul3A_281 = arith.constant 16 : i32
      %mul3A_282 = arith.muli %select_n3A_280, %mul3A_281 : i32
      %get3A_283 = arith.index_cast %mul3A_282 : i32 to index
      %get3A_284 = tpu.vector_load %arg10[%get3A_283] {strides = array<i32>} : memref<96xf32, #tpu.memory_space<vmem>>, vector<16xf32>,
      %mul3A_285 = arith.constant 16 : i32
      %mul3A_286 = arith.muli %select_n3A_280, %mul3A_285 : i32
      %get3A_287 = arith.index_cast %mul3A_286 : i32 to index
      %get3A_288 = tpu.vector_load %arg11[%get3A_287] {strides = array<i32>} : memref<96xf32, #tpu.memory_space<vmem>>, vector<16xf32>,
      %mul3A_289 = arith.constant 64 : i32
      %mul3A_290 = arith.muli %select_n3A_280, %mul3A_289 : i32
      %mul3A_291 = arith.constant 64 : i32
      %mul3A_292 = arith.muli %select_n3A_280, %mul3A_291 : i32
      %parallel_loop3A_293 = arith.constant 0 : i32
      %parallel_loop3A_294 = arith.constant 32768 : i32
      %parallel_loop3A_295 = arith.constant 16 : i32
      scf.for %parallel_loop3A_500 = %parallel_loop3A_293 to %parallel_loop3A_294 step %parallel_loop3A_295  : i32 {
        %parallel_loop3A_501 = arith.constant 512 : i32
        %parallel_loop3A_502 = arith.divsi %parallel_loop3A_500, %parallel_loop3A_501 : i32
        %parallel_loop3A_503 = arith.constant 0 : i32
        %parallel_loop3A_504 = arith.cmpi sgt, %parallel_loop3A_500, %parallel_loop3A_503 : i32
        %parallel_loop3A_505 = arith.extui %parallel_loop3A_504 : i1 to i32
        %parallel_loop3A_506 = arith.constant 0 : i32
        %parallel_loop3A_507 = arith.cmpi slt, %parallel_loop3A_500, %parallel_loop3A_506 : i32
        %parallel_loop3A_508 = arith.extui %parallel_loop3A_507 : i1 to i32
        %parallel_loop3A_509 = arith.subi %parallel_loop3A_505, %parallel_loop3A_508 : i32
        %parallel_loop3A_510 = arith.constant 0 : i32
        %parallel_loop3A_511 = arith.cmpi sgt, %parallel_loop3A_501, %parallel_loop3A_510 : i32
        %parallel_loop3A_512 = arith.extui %parallel_loop3A_511 : i1 to i32
        %parallel_loop3A_513 = arith.constant 0 : i32
        %parallel_loop3A_514 = arith.cmpi slt, %parallel_loop3A_501, %parallel_loop3A_513 : i32
        %parallel_loop3A_515 = arith.extui %parallel_loop3A_514 : i1 to i32
        %parallel_loop3A_516 = arith.subi %parallel_loop3A_512, %parallel_loop3A_515 : i32
        %parallel_loop3A_517 = arith.cmpi ne, %parallel_loop3A_509, %parallel_loop3A_516 : i32
        %parallel_loop3A_518 = arith.remsi %parallel_loop3A_500, %parallel_loop3A_501 : i32
        %parallel_loop3A_519 = arith.constant 0 : i32
        %parallel_loop3A_520 = arith.cmpi ne, %parallel_loop3A_518, %parallel_loop3A_519 : i32
        %parallel_loop3A_521 = arith.andi %parallel_loop3A_517, %parallel_loop3A_520 : i1
        %parallel_loop3A_522 = arith.constant 1 : i32
        %parallel_loop3A_523 = arith.subi %parallel_loop3A_502, %parallel_loop3A_522 : i32
        %parallel_loop3A_524 = arith.select %parallel_loop3A_521, %parallel_loop3A_523, %parallel_loop3A_502 : i32
        %parallel_loop3A_525 = arith.constant 512 : i32
        %parallel_loop3A_526 = arith.constant 0 : i32
        %parallel_loop3A_527 = arith.cmpi eq, %parallel_loop3A_525, %parallel_loop3A_526 : i32
        %parallel_loop3A_528 = arith.constant 1 : i32
        %parallel_loop3A_529 = arith.select %parallel_loop3A_527, %parallel_loop3A_528, %parallel_loop3A_525 : i32
        %parallel_loop3A_530 = arith.remsi %parallel_loop3A_500, %parallel_loop3A_529 : i32
        %parallel_loop3A_531 = arith.constant 0 : i32
        %parallel_loop3A_532 = arith.cmpi ne, %parallel_loop3A_530, %parallel_loop3A_531 : i32
        %parallel_loop3A_533 = arith.constant 0 : i32
        %parallel_loop3A_534 = arith.cmpi slt, %parallel_loop3A_530, %parallel_loop3A_533 : i32
        %parallel_loop3A_535 = arith.constant 0 : i32
        %parallel_loop3A_536 = arith.cmpi slt, %parallel_loop3A_529, %parallel_loop3A_535 : i32
        %parallel_loop3A_537 = arith.xori %parallel_loop3A_534, %parallel_loop3A_536 : i1
        %parallel_loop3A_538 = arith.andi %parallel_loop3A_537, %parallel_loop3A_532 : i1
        %parallel_loop3A_539 = arith.addi %parallel_loop3A_530, %parallel_loop3A_529 : i32
        %parallel_loop3A_540 = arith.select %parallel_loop3A_538, %parallel_loop3A_539, %parallel_loop3A_530 : i32
        %parallel_loop3A_541 = arith.index_cast %parallel_loop3A_524 : i32 to index
        %parallel_loop3A_542 = arith.index_cast %parallel_loop3A_540 : i32 to index
        %parallel_loop3A_543 = tpu.vector_load %arg13[%parallel_loop3A_541, %parallel_loop3A_542] {strides = array<i32>} : memref<64x512xf32, #tpu.memory_space<vmem>>, vector<16xf32>,
        %parallel_loop3A_544 = arith.mulf %parallel_loop3A_543, %get3A_284 : vector<16xf32>
        %parallel_loop3A_545 = arith.addf %parallel_loop3A_544, %get3A_288 : vector<16xf32>
        %parallel_loop3A_546 = arith.fptosi %parallel_loop3A_545 : vector<16xf32> to vector<16xi32>
        %parallel_loop3A_547 = arith.sitofp %parallel_loop3A_546 : vector<16xi32> to vector<16xf32>
        %parallel_loop3A_548 = arith.subf %parallel_loop3A_545, %parallel_loop3A_547 : vector<16xf32>
        %parallel_loop3A_549 = tpu.memref_slice %arg8[%mul3A_290] : memref<384xf32, #tpu.memory_space<vmem>> -> memref<64xf32, #tpu.memory_space<vmem>>
        %parallel_loop3A_550 = tpu.vector_load_idx %parallel_loop3A_549[%parallel_loop3A_546] : memref<64xf32, #tpu.memory_space<vmem>>[vector<16xi32>], vector<16xf32>,
        %parallel_loop3A_551 = tpu.memref_slice %arg9[%mul3A_292] : memref<384xf32, #tpu.memory_space<vmem>> -> memref<64xf32, #tpu.memory_space<vmem>>
        %parallel_loop3A_552 = tpu.vector_load_idx %parallel_loop3A_551[%parallel_loop3A_546] : memref<64xf32, #tpu.memory_space<vmem>>[vector<16xi32>], vector<16xf32>,
        %parallel_loop3A_553 = arith.mulf %parallel_loop3A_548, %parallel_loop3A_552 : vector<16xf32>
        %parallel_loop3A_554 = arith.addf %parallel_loop3A_550, %parallel_loop3A_553 : vector<16xf32>
        %parallel_loop3A_555 = arith.index_cast %parallel_loop3A_524 : i32 to index
        %parallel_loop3A_556 = arith.index_cast %parallel_loop3A_540 : i32 to index
        %parallel_loop3A_557 = tpu.vector_load %arg13[%parallel_loop3A_555, %parallel_loop3A_556] {strides = array<i32>} : memref<64x512xf32, #tpu.memory_space<vmem>>, vector<16xf32>,
        tpu.vector_store %arg13[%parallel_loop3A_555, %parallel_loop3A_556], %parallel_loop3A_554 {strides = array<i32>} : memref<64x512xf32, #tpu.memory_space<vmem>>, vector<16xf32>,
      } {sc.loop_unroll_factor = 8 : i64, sc.parallel_access}
      %jit3A_296 = arith.constant 8 : i32
      %div3A_297 = arith.divsi %add3A_207, %jit3A_296 : i32
      %sign3A_298 = arith.constant 0 : i32
      %sign3A_299 = arith.cmpi sgt, %add3A_207, %sign3A_298 : i32
      %sign3A_300 = arith.extui %sign3A_299 : i1 to i32
      %sign3A_301 = arith.constant 0 : i32
      %sign3A_302 = arith.cmpi slt, %add3A_207, %sign3A_301 : i32
      %sign3A_303 = arith.extui %sign3A_302 : i1 to i32
      %sign3A_304 = arith.subi %sign3A_300, %sign3A_303 : i32
      %sign3A_305 = arith.constant 0 : i32
      %sign3A_306 = arith.cmpi sgt, %jit3A_296, %sign3A_305 : i32
      %sign3A_307 = arith.extui %sign3A_306 : i1 to i32
      %sign3A_308 = arith.constant 0 : i32
      %sign3A_309 = arith.cmpi slt, %jit3A_296, %sign3A_308 : i32
      %sign3A_310 = arith.extui %sign3A_309 : i1 to i32
      %sign3A_311 = arith.subi %sign3A_307, %sign3A_310 : i32
      %ne3A_312 = arith.cmpi ne, %sign3A_304, %sign3A_311 : i32
      %rem3A_313 = arith.remsi %add3A_207, %jit3A_296 : i32
      %ne3A_314 = arith.constant 0 : i32
      %ne3A_315 = arith.cmpi ne, %rem3A_313, %ne3A_314 : i32
      %and3A_316 = arith.andi %ne3A_312, %ne3A_315 : i1
      %sub3A_317 = arith.constant 1 : i32
      %sub3A_318 = arith.subi %div3A_297, %sub3A_317 : i32
      %select_n3A_319 = arith.select %and3A_316, %sub3A_318, %div3A_297 : i32
      %add3A_320 = arith.addi %mul3A_2, %select_n3A_319 : i32
      %jit3A_321 = arith.constant 8 : i32
      %eq3A_322 = arith.constant 0 : i32
      %eq3A_323 = arith.cmpi eq, %jit3A_321, %eq3A_322 : i32
      %jit3A_324 = arith.constant 1 : i32
      %select_n3A_325 = arith.select %eq3A_323, %jit3A_324, %jit3A_321 : i32
      %rem3A_326 = arith.remsi %add3A_207, %select_n3A_325 : i32
      %ne3A_327 = arith.constant 0 : i32
      %ne3A_328 = arith.cmpi ne, %rem3A_326, %ne3A_327 : i32
      %lt3A_329 = arith.constant 0 : i32
      %lt3A_330 = arith.cmpi slt, %rem3A_326, %lt3A_329 : i32
      %lt3A_331 = arith.constant 0 : i32
      %lt3A_332 = arith.cmpi slt, %select_n3A_325, %lt3A_331 : i32
      %ne3A_333 = arith.xori %lt3A_330, %lt3A_332 : i1
      %and3A_334 = arith.andi %ne3A_333, %ne3A_328 : i1
      %add3A_335 = arith.addi %rem3A_326, %select_n3A_325 : i32
      %select_n3A_336 = arith.select %and3A_334, %add3A_335, %rem3A_326 : i32
      %dma_start3A_337 = arith.constant 0 : i32
      %dma_start3A_338 = arith.constant 0 : i32
      %dma_start3A_339 = tpu.memref_slice %arg7[%add3A_320, %select_n3A_336, %dma_start3A_337, %dma_start3A_338] : memref<192x8x64x512xf32, #tpu.memory_space<hbm>> -> memref<1x1x64x512xf32, #tpu.memory_space<hbm>>
      %dma_start3A_340 = tpu.memref_squeeze %dma_start3A_339 : memref<1x1x64x512xf32, #tpu.memory_space<hbm>> -> memref<64x512xf32, #tpu.memory_space<hbm>>
      %dma_start3A_341 = arith.constant 0 : i32
      %dma_start3A_342 = arith.constant 0 : i32
      %dma_start3A_343 = tpu.memref_slice %arg7[%add3A_320, %select_n3A_336, %dma_start3A_341, %dma_start3A_342] : memref<192x8x64x512xf32, #tpu.memory_space<hbm>> -> memref<1x1x64x512xf32, #tpu.memory_space<hbm>>
      %dma_start3A_344 = tpu.memref_squeeze %dma_start3A_343 : memref<1x1x64x512xf32, #tpu.memory_space<hbm>> -> memref<64x512xf32, #tpu.memory_space<hbm>>
      tpu.enqueue_dma source(%arg13 : memref<64x512xf32, #tpu.memory_space<vmem>>) target(%dma_start3A_344 : memref<64x512xf32, #tpu.memory_space<hbm>>) target_semaphore(%arg19 : memref<!tpu.dma_semaphore, #tpu.memory_space<semaphore_mem>>)
      %add3A_345 = arith.constant 2 : i32
      %add3A_346 = arith.addi %add3A_207, %add3A_345 : i32
      %lt3A_347 = arith.constant 48 : i32
      %lt3A_348 = arith.cmpi slt, %add3A_346, %lt3A_347 : i32
      %convert_element_type3A_349 = arith.extui %lt3A_348 : i1 to i32
      %cond3A_350 = arith.constant 0 : i32
      %cond3A_351 = arith.cmpi ne, %convert_element_type3A_349, %cond3A_350 : i32
      scf.if %cond3A_351 {
        %ge3A = arith.constant 1 : i32
        %ge3A_500 = arith.cmpi sge, %add3A_207, %ge3A : i32
        %convert_element_type3A_501 = arith.extui %ge3A_500 : i1 to i32
        %cond3A_502 = arith.constant 0 : i32
        %cond3A_503 = arith.cmpi ne, %convert_element_type3A_501, %cond3A_502 : i32
        scf.if %cond3A_503 {
          %sub3A_555 = arith.constant 1 : i32
          %sub3A_556 = arith.subi %add3A_207, %sub3A_555 : i32
          %jit3A_557 = arith.constant 8 : i32
          %div3A_558 = arith.divsi %sub3A_556, %jit3A_557 : i32
          %sign3A_559 = arith.constant 0 : i32
          %sign3A_560 = arith.cmpi sgt, %sub3A_556, %sign3A_559 : i32
          %sign3A_561 = arith.extui %sign3A_560 : i1 to i32
          %sign3A_562 = arith.constant 0 : i32
          %sign3A_563 = arith.cmpi slt, %sub3A_556, %sign3A_562 : i32
          %sign3A_564 = arith.extui %sign3A_563 : i1 to i32
          %sign3A_565 = arith.subi %sign3A_561, %sign3A_564 : i32
          %sign3A_566 = arith.constant 0 : i32
          %sign3A_567 = arith.cmpi sgt, %jit3A_557, %sign3A_566 : i32
          %sign3A_568 = arith.extui %sign3A_567 : i1 to i32
          %sign3A_569 = arith.constant 0 : i32
          %sign3A_570 = arith.cmpi slt, %jit3A_557, %sign3A_569 : i32
          %sign3A_571 = arith.extui %sign3A_570 : i1 to i32
          %sign3A_572 = arith.subi %sign3A_568, %sign3A_571 : i32
          %ne3A_573 = arith.cmpi ne, %sign3A_565, %sign3A_572 : i32
          %rem3A_574 = arith.remsi %sub3A_556, %jit3A_557 : i32
          %ne3A_575 = arith.constant 0 : i32
          %ne3A_576 = arith.cmpi ne, %rem3A_574, %ne3A_575 : i32
          %and3A_577 = arith.andi %ne3A_573, %ne3A_576 : i1
          %sub3A_578 = arith.constant 1 : i32
          %sub3A_579 = arith.subi %div3A_558, %sub3A_578 : i32
          %select_n3A_580 = arith.select %and3A_577, %sub3A_579, %div3A_558 : i32
          %add3A_581 = arith.addi %mul3A_2, %select_n3A_580 : i32
          %jit3A_582 = arith.constant 8 : i32
          %eq3A_583 = arith.constant 0 : i32
          %eq3A_584 = arith.cmpi eq, %jit3A_582, %eq3A_583 : i32
          %jit3A_585 = arith.constant 1 : i32
          %select_n3A_586 = arith.select %eq3A_584, %jit3A_585, %jit3A_582 : i32
          %rem3A_587 = arith.remsi %sub3A_556, %select_n3A_586 : i32
          %ne3A_588 = arith.constant 0 : i32
          %ne3A_589 = arith.cmpi ne, %rem3A_587, %ne3A_588 : i32
          %lt3A_590 = arith.constant 0 : i32
          %lt3A_591 = arith.cmpi slt, %rem3A_587, %lt3A_590 : i32
          %lt3A_592 = arith.constant 0 : i32
          %lt3A_593 = arith.cmpi slt, %select_n3A_586, %lt3A_592 : i32
          %ne3A_594 = arith.xori %lt3A_591, %lt3A_593 : i1
          %and3A_595 = arith.andi %ne3A_594, %ne3A_589 : i1
          %add3A_596 = arith.addi %rem3A_587, %select_n3A_586 : i32
          %select_n3A_597 = arith.select %and3A_595, %add3A_596, %rem3A_587 : i32
          %dma_wait3A_598 = arith.constant 0 : i32
          %dma_wait3A_599 = arith.constant 0 : i32
          %dma_wait3A_600 = tpu.memref_slice %arg7[%add3A_581, %select_n3A_597, %dma_wait3A_598, %dma_wait3A_599] : memref<192x8x64x512xf32, #tpu.memory_space<hbm>> -> memref<1x1x64x512xf32, #tpu.memory_space<hbm>>
          %dma_wait3A_601 = tpu.memref_squeeze %dma_wait3A_600 : memref<1x1x64x512xf32, #tpu.memory_space<hbm>> -> memref<64x512xf32, #tpu.memory_space<hbm>>
          %dma_wait3A_602 = arith.constant 0 : i32
          %dma_wait3A_603 = arith.constant 0 : i32
          %dma_wait3A_604 = tpu.memref_slice %arg7[%add3A_581, %select_n3A_597, %dma_wait3A_602, %dma_wait3A_603] : memref<192x8x64x512xf32, #tpu.memory_space<hbm>> -> memref<1x1x64x512xf32, #tpu.memory_space<hbm>>
          %dma_wait3A_605 = tpu.memref_squeeze %dma_wait3A_604 : memref<1x1x64x512xf32, #tpu.memory_space<hbm>> -> memref<64x512xf32, #tpu.memory_space<hbm>>
          tpu.wait_dma2 semaphore(%arg18 : memref<!tpu.dma_semaphore, #tpu.memory_space<semaphore_mem>>) src(%arg12 : memref<64x512xf32, #tpu.memory_space<vmem>>) dst(%dma_wait3A_605 : memref<64x512xf32, #tpu.memory_space<hbm>>)
        } else {
        }
        %add3A_504 = arith.constant 2 : i32
        %add3A_505 = arith.addi %add3A_207, %add3A_504 : i32
        %jit3A_506 = arith.constant 8 : i32
        %div3A_507 = arith.divsi %add3A_505, %jit3A_506 : i32
        %sign3A_508 = arith.constant 0 : i32
        %sign3A_509 = arith.cmpi sgt, %add3A_505, %sign3A_508 : i32
        %sign3A_510 = arith.extui %sign3A_509 : i1 to i32
        %sign3A_511 = arith.constant 0 : i32
        %sign3A_512 = arith.cmpi slt, %add3A_505, %sign3A_511 : i32
        %sign3A_513 = arith.extui %sign3A_512 : i1 to i32
        %sign3A_514 = arith.subi %sign3A_510, %sign3A_513 : i32
        %sign3A_515 = arith.constant 0 : i32
        %sign3A_516 = arith.cmpi sgt, %jit3A_506, %sign3A_515 : i32
        %sign3A_517 = arith.extui %sign3A_516 : i1 to i32
        %sign3A_518 = arith.constant 0 : i32
        %sign3A_519 = arith.cmpi slt, %jit3A_506, %sign3A_518 : i32
        %sign3A_520 = arith.extui %sign3A_519 : i1 to i32
        %sign3A_521 = arith.subi %sign3A_517, %sign3A_520 : i32
        %ne3A_522 = arith.cmpi ne, %sign3A_514, %sign3A_521 : i32
        %rem3A_523 = arith.remsi %add3A_505, %jit3A_506 : i32
        %ne3A_524 = arith.constant 0 : i32
        %ne3A_525 = arith.cmpi ne, %rem3A_523, %ne3A_524 : i32
        %and3A_526 = arith.andi %ne3A_522, %ne3A_525 : i1
        %sub3A_527 = arith.constant 1 : i32
        %sub3A_528 = arith.subi %div3A_507, %sub3A_527 : i32
        %select_n3A_529 = arith.select %and3A_526, %sub3A_528, %div3A_507 : i32
        %add3A_530 = arith.addi %mul3A_2, %select_n3A_529 : i32
        %jit3A_531 = arith.constant 8 : i32
        %eq3A_532 = arith.constant 0 : i32
        %eq3A_533 = arith.cmpi eq, %jit3A_531, %eq3A_532 : i32
        %jit3A_534 = arith.constant 1 : i32
        %select_n3A_535 = arith.select %eq3A_533, %jit3A_534, %jit3A_531 : i32
        %rem3A_536 = arith.remsi %add3A_505, %select_n3A_535 : i32
        %ne3A_537 = arith.constant 0 : i32
        %ne3A_538 = arith.cmpi ne, %rem3A_536, %ne3A_537 : i32
        %lt3A_539 = arith.constant 0 : i32
        %lt3A_540 = arith.cmpi slt, %rem3A_536, %lt3A_539 : i32
        %lt3A_541 = arith.constant 0 : i32
        %lt3A_542 = arith.cmpi slt, %select_n3A_535, %lt3A_541 : i32
        %ne3A_543 = arith.xori %lt3A_540, %lt3A_542 : i1
        %and3A_544 = arith.andi %ne3A_543, %ne3A_538 : i1
        %add3A_545 = arith.addi %rem3A_536, %select_n3A_535 : i32
        %select_n3A_546 = arith.select %and3A_544, %add3A_545, %rem3A_536 : i32
        %dma_start3A_547 = arith.constant 0 : i32
        %dma_start3A_548 = arith.constant 0 : i32
        %dma_start3A_549 = tpu.memref_slice %arg2[%add3A_530, %select_n3A_546, %dma_start3A_547, %dma_start3A_548] : memref<192x8x64x512xf32, #tpu.memory_space<hbm>> -> memref<1x1x64x512xf32, #tpu.memory_space<hbm>>
        %dma_start3A_550 = tpu.memref_squeeze %dma_start3A_549 : memref<1x1x64x512xf32, #tpu.memory_space<hbm>> -> memref<64x512xf32, #tpu.memory_space<hbm>>
        %dma_start3A_551 = arith.constant 0 : i32
        %dma_start3A_552 = arith.constant 0 : i32
        %dma_start3A_553 = tpu.memref_slice %arg2[%add3A_530, %select_n3A_546, %dma_start3A_551, %dma_start3A_552] : memref<192x8x64x512xf32, #tpu.memory_space<hbm>> -> memref<1x1x64x512xf32, #tpu.memory_space<hbm>>
        %dma_start3A_554 = tpu.memref_squeeze %dma_start3A_553 : memref<1x1x64x512xf32, #tpu.memory_space<hbm>> -> memref<64x512xf32, #tpu.memory_space<hbm>>
        tpu.enqueue_dma source(%dma_start3A_554 : memref<64x512xf32, #tpu.memory_space<hbm>>) target(%arg12 : memref<64x512xf32, #tpu.memory_space<vmem>>) target_semaphore(%arg15 : memref<!tpu.dma_semaphore, #tpu.memory_space<semaphore_mem>>)
      } else {
      }
      %mul3A_352 = arith.constant 3 : i32
      %mul3A_353 = arith.muli %mul3A_352, %scan3A_69 : i32
      %add3A_354 = arith.constant 2 : i32
      %add3A_355 = arith.addi %mul3A_353, %add3A_354 : i32
      %jit3A_356 = arith.constant 8 : i32
      %div3A_357 = arith.divsi %add3A_355, %jit3A_356 : i32
      %sign3A_358 = arith.constant 0 : i32
      %sign3A_359 = arith.cmpi sgt, %add3A_355, %sign3A_358 : i32
      %sign3A_360 = arith.extui %sign3A_359 : i1 to i32
      %sign3A_361 = arith.constant 0 : i32
      %sign3A_362 = arith.cmpi slt, %add3A_355, %sign3A_361 : i32
      %sign3A_363 = arith.extui %sign3A_362 : i1 to i32
      %sign3A_364 = arith.subi %sign3A_360, %sign3A_363 : i32
      %sign3A_365 = arith.constant 0 : i32
      %sign3A_366 = arith.cmpi sgt, %jit3A_356, %sign3A_365 : i32
      %sign3A_367 = arith.extui %sign3A_366 : i1 to i32
      %sign3A_368 = arith.constant 0 : i32
      %sign3A_369 = arith.cmpi slt, %jit3A_356, %sign3A_368 : i32
      %sign3A_370 = arith.extui %sign3A_369 : i1 to i32
      %sign3A_371 = arith.subi %sign3A_367, %sign3A_370 : i32
      %ne3A_372 = arith.cmpi ne, %sign3A_364, %sign3A_371 : i32
      %rem3A_373 = arith.remsi %add3A_355, %jit3A_356 : i32
      %ne3A_374 = arith.constant 0 : i32
      %ne3A_375 = arith.cmpi ne, %rem3A_373, %ne3A_374 : i32
      %and3A_376 = arith.andi %ne3A_372, %ne3A_375 : i1
      %sub3A_377 = arith.constant 1 : i32
      %sub3A_378 = arith.subi %div3A_357, %sub3A_377 : i32
      %select_n3A_379 = arith.select %and3A_376, %sub3A_378, %div3A_357 : i32
      %add3A_380 = arith.addi %mul3A_2, %select_n3A_379 : i32
      %jit3A_381 = arith.constant 8 : i32
      %eq3A_382 = arith.constant 0 : i32
      %eq3A_383 = arith.cmpi eq, %jit3A_381, %eq3A_382 : i32
      %jit3A_384 = arith.constant 1 : i32
      %select_n3A_385 = arith.select %eq3A_383, %jit3A_384, %jit3A_381 : i32
      %rem3A_386 = arith.remsi %add3A_355, %select_n3A_385 : i32
      %ne3A_387 = arith.constant 0 : i32
      %ne3A_388 = arith.cmpi ne, %rem3A_386, %ne3A_387 : i32
      %lt3A_389 = arith.constant 0 : i32
      %lt3A_390 = arith.cmpi slt, %rem3A_386, %lt3A_389 : i32
      %lt3A_391 = arith.constant 0 : i32
      %lt3A_392 = arith.cmpi slt, %select_n3A_385, %lt3A_391 : i32
      %ne3A_393 = arith.xori %lt3A_390, %lt3A_392 : i1
      %and3A_394 = arith.andi %ne3A_393, %ne3A_388 : i1
      %add3A_395 = arith.addi %rem3A_386, %select_n3A_385 : i32
      %select_n3A_396 = arith.select %and3A_394, %add3A_395, %rem3A_386 : i32
      %dma_wait3A_397 = arith.constant 0 : i32
      %dma_wait3A_398 = arith.constant 0 : i32
      %dma_wait3A_399 = tpu.memref_slice %arg2[%add3A_380, %select_n3A_396, %dma_wait3A_397, %dma_wait3A_398] : memref<192x8x64x512xf32, #tpu.memory_space<hbm>> -> memref<1x1x64x512xf32, #tpu.memory_space<hbm>>
      %dma_wait3A_400 = tpu.memref_squeeze %dma_wait3A_399 : memref<1x1x64x512xf32, #tpu.memory_space<hbm>> -> memref<64x512xf32, #tpu.memory_space<hbm>>
      %dma_wait3A_401 = arith.constant 0 : i32
      %dma_wait3A_402 = arith.constant 0 : i32
      %dma_wait3A_403 = tpu.memref_slice %arg2[%add3A_380, %select_n3A_396, %dma_wait3A_401, %dma_wait3A_402] : memref<192x8x64x512xf32, #tpu.memory_space<hbm>> -> memref<1x1x64x512xf32, #tpu.memory_space<hbm>>
      %dma_wait3A_404 = tpu.memref_squeeze %dma_wait3A_403 : memref<1x1x64x512xf32, #tpu.memory_space<hbm>> -> memref<64x512xf32, #tpu.memory_space<hbm>>
      tpu.wait_dma2 semaphore(%arg17 : memref<!tpu.dma_semaphore, #tpu.memory_space<semaphore_mem>>) src(%dma_wait3A_404 : memref<64x512xf32, #tpu.memory_space<hbm>>) dst(%arg14 : memref<64x512xf32, #tpu.memory_space<vmem>>)
      %jit3A_405 = arith.constant 8 : i32
      %div3A_406 = arith.divsi %add3A_355, %jit3A_405 : i32
      %sign3A_407 = arith.constant 0 : i32
      %sign3A_408 = arith.cmpi sgt, %add3A_355, %sign3A_407 : i32
      %sign3A_409 = arith.extui %sign3A_408 : i1 to i32
      %sign3A_410 = arith.constant 0 : i32
      %sign3A_411 = arith.cmpi slt, %add3A_355, %sign3A_410 : i32
      %sign3A_412 = arith.extui %sign3A_411 : i1 to i32
      %sign3A_413 = arith.subi %sign3A_409, %sign3A_412 : i32
      %sign3A_414 = arith.constant 0 : i32
      %sign3A_415 = arith.cmpi sgt, %jit3A_405, %sign3A_414 : i32
      %sign3A_416 = arith.extui %sign3A_415 : i1 to i32
      %sign3A_417 = arith.constant 0 : i32
      %sign3A_418 = arith.cmpi slt, %jit3A_405, %sign3A_417 : i32
      %sign3A_419 = arith.extui %sign3A_418 : i1 to i32
      %sign3A_420 = arith.subi %sign3A_416, %sign3A_419 : i32
      %ne3A_421 = arith.cmpi ne, %sign3A_413, %sign3A_420 : i32
      %rem3A_422 = arith.remsi %add3A_355, %jit3A_405 : i32
      %ne3A_423 = arith.constant 0 : i32
      %ne3A_424 = arith.cmpi ne, %rem3A_422, %ne3A_423 : i32
      %and3A_425 = arith.andi %ne3A_421, %ne3A_424 : i1
      %sub3A_426 = arith.constant 1 : i32
      %sub3A_427 = arith.subi %div3A_406, %sub3A_426 : i32
      %select_n3A_428 = arith.select %and3A_425, %sub3A_427, %div3A_406 : i32
      %mul3A_429 = arith.constant 16 : i32
      %mul3A_430 = arith.muli %select_n3A_428, %mul3A_429 : i32
      %get3A_431 = arith.index_cast %mul3A_430 : i32 to index
      %get3A_432 = tpu.vector_load %arg10[%get3A_431] {strides = array<i32>} : memref<96xf32, #tpu.memory_space<vmem>>, vector<16xf32>,
      %mul3A_433 = arith.constant 16 : i32
      %mul3A_434 = arith.muli %select_n3A_428, %mul3A_433 : i32
      %get3A_435 = arith.index_cast %mul3A_434 : i32 to index
      %get3A_436 = tpu.vector_load %arg11[%get3A_435] {strides = array<i32>} : memref<96xf32, #tpu.memory_space<vmem>>, vector<16xf32>,
      %mul3A_437 = arith.constant 64 : i32
      %mul3A_438 = arith.muli %select_n3A_428, %mul3A_437 : i32
      %mul3A_439 = arith.constant 64 : i32
      %mul3A_440 = arith.muli %select_n3A_428, %mul3A_439 : i32
      %parallel_loop3A_441 = arith.constant 0 : i32
      %parallel_loop3A_442 = arith.constant 32768 : i32
      %parallel_loop3A_443 = arith.constant 16 : i32
      scf.for %parallel_loop3A_500 = %parallel_loop3A_441 to %parallel_loop3A_442 step %parallel_loop3A_443  : i32 {
        %parallel_loop3A_501 = arith.constant 512 : i32
        %parallel_loop3A_502 = arith.divsi %parallel_loop3A_500, %parallel_loop3A_501 : i32
        %parallel_loop3A_503 = arith.constant 0 : i32
        %parallel_loop3A_504 = arith.cmpi sgt, %parallel_loop3A_500, %parallel_loop3A_503 : i32
        %parallel_loop3A_505 = arith.extui %parallel_loop3A_504 : i1 to i32
        %parallel_loop3A_506 = arith.constant 0 : i32
        %parallel_loop3A_507 = arith.cmpi slt, %parallel_loop3A_500, %parallel_loop3A_506 : i32
        %parallel_loop3A_508 = arith.extui %parallel_loop3A_507 : i1 to i32
        %parallel_loop3A_509 = arith.subi %parallel_loop3A_505, %parallel_loop3A_508 : i32
        %parallel_loop3A_510 = arith.constant 0 : i32
        %parallel_loop3A_511 = arith.cmpi sgt, %parallel_loop3A_501, %parallel_loop3A_510 : i32
        %parallel_loop3A_512 = arith.extui %parallel_loop3A_511 : i1 to i32
        %parallel_loop3A_513 = arith.constant 0 : i32
        %parallel_loop3A_514 = arith.cmpi slt, %parallel_loop3A_501, %parallel_loop3A_513 : i32
        %parallel_loop3A_515 = arith.extui %parallel_loop3A_514 : i1 to i32
        %parallel_loop3A_516 = arith.subi %parallel_loop3A_512, %parallel_loop3A_515 : i32
        %parallel_loop3A_517 = arith.cmpi ne, %parallel_loop3A_509, %parallel_loop3A_516 : i32
        %parallel_loop3A_518 = arith.remsi %parallel_loop3A_500, %parallel_loop3A_501 : i32
        %parallel_loop3A_519 = arith.constant 0 : i32
        %parallel_loop3A_520 = arith.cmpi ne, %parallel_loop3A_518, %parallel_loop3A_519 : i32
        %parallel_loop3A_521 = arith.andi %parallel_loop3A_517, %parallel_loop3A_520 : i1
        %parallel_loop3A_522 = arith.constant 1 : i32
        %parallel_loop3A_523 = arith.subi %parallel_loop3A_502, %parallel_loop3A_522 : i32
        %parallel_loop3A_524 = arith.select %parallel_loop3A_521, %parallel_loop3A_523, %parallel_loop3A_502 : i32
        %parallel_loop3A_525 = arith.constant 512 : i32
        %parallel_loop3A_526 = arith.constant 0 : i32
        %parallel_loop3A_527 = arith.cmpi eq, %parallel_loop3A_525, %parallel_loop3A_526 : i32
        %parallel_loop3A_528 = arith.constant 1 : i32
        %parallel_loop3A_529 = arith.select %parallel_loop3A_527, %parallel_loop3A_528, %parallel_loop3A_525 : i32
        %parallel_loop3A_530 = arith.remsi %parallel_loop3A_500, %parallel_loop3A_529 : i32
        %parallel_loop3A_531 = arith.constant 0 : i32
        %parallel_loop3A_532 = arith.cmpi ne, %parallel_loop3A_530, %parallel_loop3A_531 : i32
        %parallel_loop3A_533 = arith.constant 0 : i32
        %parallel_loop3A_534 = arith.cmpi slt, %parallel_loop3A_530, %parallel_loop3A_533 : i32
        %parallel_loop3A_535 = arith.constant 0 : i32
        %parallel_loop3A_536 = arith.cmpi slt, %parallel_loop3A_529, %parallel_loop3A_535 : i32
        %parallel_loop3A_537 = arith.xori %parallel_loop3A_534, %parallel_loop3A_536 : i1
        %parallel_loop3A_538 = arith.andi %parallel_loop3A_537, %parallel_loop3A_532 : i1
        %parallel_loop3A_539 = arith.addi %parallel_loop3A_530, %parallel_loop3A_529 : i32
        %parallel_loop3A_540 = arith.select %parallel_loop3A_538, %parallel_loop3A_539, %parallel_loop3A_530 : i32
        %parallel_loop3A_541 = arith.index_cast %parallel_loop3A_524 : i32 to index
        %parallel_loop3A_542 = arith.index_cast %parallel_loop3A_540 : i32 to index
        %parallel_loop3A_543 = tpu.vector_load %arg14[%parallel_loop3A_541, %parallel_loop3A_542] {strides = array<i32>} : memref<64x512xf32, #tpu.memory_space<vmem>>, vector<16xf32>,
        %parallel_loop3A_544 = arith.mulf %parallel_loop3A_543, %get3A_432 : vector<16xf32>
        %parallel_loop3A_545 = arith.addf %parallel_loop3A_544, %get3A_436 : vector<16xf32>
        %parallel_loop3A_546 = arith.fptosi %parallel_loop3A_545 : vector<16xf32> to vector<16xi32>
        %parallel_loop3A_547 = arith.sitofp %parallel_loop3A_546 : vector<16xi32> to vector<16xf32>
        %parallel_loop3A_548 = arith.subf %parallel_loop3A_545, %parallel_loop3A_547 : vector<16xf32>
        %parallel_loop3A_549 = tpu.memref_slice %arg8[%mul3A_438] : memref<384xf32, #tpu.memory_space<vmem>> -> memref<64xf32, #tpu.memory_space<vmem>>
        %parallel_loop3A_550 = tpu.vector_load_idx %parallel_loop3A_549[%parallel_loop3A_546] : memref<64xf32, #tpu.memory_space<vmem>>[vector<16xi32>], vector<16xf32>,
        %parallel_loop3A_551 = tpu.memref_slice %arg9[%mul3A_440] : memref<384xf32, #tpu.memory_space<vmem>> -> memref<64xf32, #tpu.memory_space<vmem>>
        %parallel_loop3A_552 = tpu.vector_load_idx %parallel_loop3A_551[%parallel_loop3A_546] : memref<64xf32, #tpu.memory_space<vmem>>[vector<16xi32>], vector<16xf32>,
        %parallel_loop3A_553 = arith.mulf %parallel_loop3A_548, %parallel_loop3A_552 : vector<16xf32>
        %parallel_loop3A_554 = arith.addf %parallel_loop3A_550, %parallel_loop3A_553 : vector<16xf32>
        %parallel_loop3A_555 = arith.index_cast %parallel_loop3A_524 : i32 to index
        %parallel_loop3A_556 = arith.index_cast %parallel_loop3A_540 : i32 to index
        %parallel_loop3A_557 = tpu.vector_load %arg14[%parallel_loop3A_555, %parallel_loop3A_556] {strides = array<i32>} : memref<64x512xf32, #tpu.memory_space<vmem>>, vector<16xf32>,
        tpu.vector_store %arg14[%parallel_loop3A_555, %parallel_loop3A_556], %parallel_loop3A_554 {strides = array<i32>} : memref<64x512xf32, #tpu.memory_space<vmem>>, vector<16xf32>,
      } {sc.loop_unroll_factor = 8 : i64, sc.parallel_access}
      %jit3A_444 = arith.constant 8 : i32
      %div3A_445 = arith.divsi %add3A_355, %jit3A_444 : i32
      %sign3A_446 = arith.constant 0 : i32
      %sign3A_447 = arith.cmpi sgt, %add3A_355, %sign3A_446 : i32
      %sign3A_448 = arith.extui %sign3A_447 : i1 to i32
      %sign3A_449 = arith.constant 0 : i32
      %sign3A_450 = arith.cmpi slt, %add3A_355, %sign3A_449 : i32
      %sign3A_451 = arith.extui %sign3A_450 : i1 to i32
      %sign3A_452 = arith.subi %sign3A_448, %sign3A_451 : i32
      %sign3A_453 = arith.constant 0 : i32
      %sign3A_454 = arith.cmpi sgt, %jit3A_444, %sign3A_453 : i32
      %sign3A_455 = arith.extui %sign3A_454 : i1 to i32
      %sign3A_456 = arith.constant 0 : i32
      %sign3A_457 = arith.cmpi slt, %jit3A_444, %sign3A_456 : i32
      %sign3A_458 = arith.extui %sign3A_457 : i1 to i32
      %sign3A_459 = arith.subi %sign3A_455, %sign3A_458 : i32
      %ne3A_460 = arith.cmpi ne, %sign3A_452, %sign3A_459 : i32
      %rem3A_461 = arith.remsi %add3A_355, %jit3A_444 : i32
      %ne3A_462 = arith.constant 0 : i32
      %ne3A_463 = arith.cmpi ne, %rem3A_461, %ne3A_462 : i32
      %and3A_464 = arith.andi %ne3A_460, %ne3A_463 : i1
      %sub3A_465 = arith.constant 1 : i32
      %sub3A_466 = arith.subi %div3A_445, %sub3A_465 : i32
      %select_n3A_467 = arith.select %and3A_464, %sub3A_466, %div3A_445 : i32
      %add3A_468 = arith.addi %mul3A_2, %select_n3A_467 : i32
      %jit3A_469 = arith.constant 8 : i32
      %eq3A_470 = arith.constant 0 : i32
      %eq3A_471 = arith.cmpi eq, %jit3A_469, %eq3A_470 : i32
      %jit3A_472 = arith.constant 1 : i32
      %select_n3A_473 = arith.select %eq3A_471, %jit3A_472, %jit3A_469 : i32
      %rem3A_474 = arith.remsi %add3A_355, %select_n3A_473 : i32
      %ne3A_475 = arith.constant 0 : i32
      %ne3A_476 = arith.cmpi ne, %rem3A_474, %ne3A_475 : i32
      %lt3A_477 = arith.constant 0 : i32
      %lt3A_478 = arith.cmpi slt, %rem3A_474, %lt3A_477 : i32
      %lt3A_479 = arith.constant 0 : i32
      %lt3A_480 = arith.cmpi slt, %select_n3A_473, %lt3A_479 : i32
      %ne3A_481 = arith.xori %lt3A_478, %lt3A_480 : i1
      %and3A_482 = arith.andi %ne3A_481, %ne3A_476 : i1
      %add3A_483 = arith.addi %rem3A_474, %select_n3A_473 : i32
      %select_n3A_484 = arith.select %and3A_482, %add3A_483, %rem3A_474 : i32
      %dma_start3A_485 = arith.constant 0 : i32
      %dma_start3A_486 = arith.constant 0 : i32
      %dma_start3A_487 = tpu.memref_slice %arg7[%add3A_468, %select_n3A_484, %dma_start3A_485, %dma_start3A_486] : memref<192x8x64x512xf32, #tpu.memory_space<hbm>> -> memref<1x1x64x512xf32, #tpu.memory_space<hbm>>
      %dma_start3A_488 = tpu.memref_squeeze %dma_start3A_487 : memref<1x1x64x512xf32, #tpu.memory_space<hbm>> -> memref<64x512xf32, #tpu.memory_space<hbm>>
      %dma_start3A_489 = arith.constant 0 : i32
      %dma_start3A_490 = arith.constant 0 : i32
      %dma_start3A_491 = tpu.memref_slice %arg7[%add3A_468, %select_n3A_484, %dma_start3A_489, %dma_start3A_490] : memref<192x8x64x512xf32, #tpu.memory_space<hbm>> -> memref<1x1x64x512xf32, #tpu.memory_space<hbm>>
      %dma_start3A_492 = tpu.memref_squeeze %dma_start3A_491 : memref<1x1x64x512xf32, #tpu.memory_space<hbm>> -> memref<64x512xf32, #tpu.memory_space<hbm>>
      tpu.enqueue_dma source(%arg14 : memref<64x512xf32, #tpu.memory_space<vmem>>) target(%dma_start3A_492 : memref<64x512xf32, #tpu.memory_space<hbm>>) target_semaphore(%arg20 : memref<!tpu.dma_semaphore, #tpu.memory_space<semaphore_mem>>)
      %add3A_493 = arith.constant 2 : i32
      %add3A_494 = arith.addi %add3A_355, %add3A_493 : i32
      %lt3A_495 = arith.constant 48 : i32
      %lt3A_496 = arith.cmpi slt, %add3A_494, %lt3A_495 : i32
      %convert_element_type3A_497 = arith.extui %lt3A_496 : i1 to i32
      %cond3A_498 = arith.constant 0 : i32
      %cond3A_499 = arith.cmpi ne, %convert_element_type3A_497, %cond3A_498 : i32
      scf.if %cond3A_499 {
        %ge3A = arith.constant 1 : i32
        %ge3A_500 = arith.cmpi sge, %add3A_355, %ge3A : i32
        %convert_element_type3A_501 = arith.extui %ge3A_500 : i1 to i32
        %cond3A_502 = arith.constant 0 : i32
        %cond3A_503 = arith.cmpi ne, %convert_element_type3A_501, %cond3A_502 : i32
        scf.if %cond3A_503 {
          %sub3A_555 = arith.constant 1 : i32
          %sub3A_556 = arith.subi %add3A_355, %sub3A_555 : i32
          %jit3A_557 = arith.constant 8 : i32
          %div3A_558 = arith.divsi %sub3A_556, %jit3A_557 : i32
          %sign3A_559 = arith.constant 0 : i32
          %sign3A_560 = arith.cmpi sgt, %sub3A_556, %sign3A_559 : i32
          %sign3A_561 = arith.extui %sign3A_560 : i1 to i32
          %sign3A_562 = arith.constant 0 : i32
          %sign3A_563 = arith.cmpi slt, %sub3A_556, %sign3A_562 : i32
          %sign3A_564 = arith.extui %sign3A_563 : i1 to i32
          %sign3A_565 = arith.subi %sign3A_561, %sign3A_564 : i32
          %sign3A_566 = arith.constant 0 : i32
          %sign3A_567 = arith.cmpi sgt, %jit3A_557, %sign3A_566 : i32
          %sign3A_568 = arith.extui %sign3A_567 : i1 to i32
          %sign3A_569 = arith.constant 0 : i32
          %sign3A_570 = arith.cmpi slt, %jit3A_557, %sign3A_569 : i32
          %sign3A_571 = arith.extui %sign3A_570 : i1 to i32
          %sign3A_572 = arith.subi %sign3A_568, %sign3A_571 : i32
          %ne3A_573 = arith.cmpi ne, %sign3A_565, %sign3A_572 : i32
          %rem3A_574 = arith.remsi %sub3A_556, %jit3A_557 : i32
          %ne3A_575 = arith.constant 0 : i32
          %ne3A_576 = arith.cmpi ne, %rem3A_574, %ne3A_575 : i32
          %and3A_577 = arith.andi %ne3A_573, %ne3A_576 : i1
          %sub3A_578 = arith.constant 1 : i32
          %sub3A_579 = arith.subi %div3A_558, %sub3A_578 : i32
          %select_n3A_580 = arith.select %and3A_577, %sub3A_579, %div3A_558 : i32
          %add3A_581 = arith.addi %mul3A_2, %select_n3A_580 : i32
          %jit3A_582 = arith.constant 8 : i32
          %eq3A_583 = arith.constant 0 : i32
          %eq3A_584 = arith.cmpi eq, %jit3A_582, %eq3A_583 : i32
          %jit3A_585 = arith.constant 1 : i32
          %select_n3A_586 = arith.select %eq3A_584, %jit3A_585, %jit3A_582 : i32
          %rem3A_587 = arith.remsi %sub3A_556, %select_n3A_586 : i32
          %ne3A_588 = arith.constant 0 : i32
          %ne3A_589 = arith.cmpi ne, %rem3A_587, %ne3A_588 : i32
          %lt3A_590 = arith.constant 0 : i32
          %lt3A_591 = arith.cmpi slt, %rem3A_587, %lt3A_590 : i32
          %lt3A_592 = arith.constant 0 : i32
          %lt3A_593 = arith.cmpi slt, %select_n3A_586, %lt3A_592 : i32
          %ne3A_594 = arith.xori %lt3A_591, %lt3A_593 : i1
          %and3A_595 = arith.andi %ne3A_594, %ne3A_589 : i1
          %add3A_596 = arith.addi %rem3A_587, %select_n3A_586 : i32
          %select_n3A_597 = arith.select %and3A_595, %add3A_596, %rem3A_587 : i32
          %dma_wait3A_598 = arith.constant 0 : i32
          %dma_wait3A_599 = arith.constant 0 : i32
          %dma_wait3A_600 = tpu.memref_slice %arg7[%add3A_581, %select_n3A_597, %dma_wait3A_598, %dma_wait3A_599] : memref<192x8x64x512xf32, #tpu.memory_space<hbm>> -> memref<1x1x64x512xf32, #tpu.memory_space<hbm>>
          %dma_wait3A_601 = tpu.memref_squeeze %dma_wait3A_600 : memref<1x1x64x512xf32, #tpu.memory_space<hbm>> -> memref<64x512xf32, #tpu.memory_space<hbm>>
          %dma_wait3A_602 = arith.constant 0 : i32
          %dma_wait3A_603 = arith.constant 0 : i32
          %dma_wait3A_604 = tpu.memref_slice %arg7[%add3A_581, %select_n3A_597, %dma_wait3A_602, %dma_wait3A_603] : memref<192x8x64x512xf32, #tpu.memory_space<hbm>> -> memref<1x1x64x512xf32, #tpu.memory_space<hbm>>
          %dma_wait3A_605 = tpu.memref_squeeze %dma_wait3A_604 : memref<1x1x64x512xf32, #tpu.memory_space<hbm>> -> memref<64x512xf32, #tpu.memory_space<hbm>>
          tpu.wait_dma2 semaphore(%arg19 : memref<!tpu.dma_semaphore, #tpu.memory_space<semaphore_mem>>) src(%arg13 : memref<64x512xf32, #tpu.memory_space<vmem>>) dst(%dma_wait3A_605 : memref<64x512xf32, #tpu.memory_space<hbm>>)
        } else {
        }
        %add3A_504 = arith.constant 2 : i32
        %add3A_505 = arith.addi %add3A_355, %add3A_504 : i32
        %jit3A_506 = arith.constant 8 : i32
        %div3A_507 = arith.divsi %add3A_505, %jit3A_506 : i32
        %sign3A_508 = arith.constant 0 : i32
        %sign3A_509 = arith.cmpi sgt, %add3A_505, %sign3A_508 : i32
        %sign3A_510 = arith.extui %sign3A_509 : i1 to i32
        %sign3A_511 = arith.constant 0 : i32
        %sign3A_512 = arith.cmpi slt, %add3A_505, %sign3A_511 : i32
        %sign3A_513 = arith.extui %sign3A_512 : i1 to i32
        %sign3A_514 = arith.subi %sign3A_510, %sign3A_513 : i32
        %sign3A_515 = arith.constant 0 : i32
        %sign3A_516 = arith.cmpi sgt, %jit3A_506, %sign3A_515 : i32
        %sign3A_517 = arith.extui %sign3A_516 : i1 to i32
        %sign3A_518 = arith.constant 0 : i32
        %sign3A_519 = arith.cmpi slt, %jit3A_506, %sign3A_518 : i32
        %sign3A_520 = arith.extui %sign3A_519 : i1 to i32
        %sign3A_521 = arith.subi %sign3A_517, %sign3A_520 : i32
        %ne3A_522 = arith.cmpi ne, %sign3A_514, %sign3A_521 : i32
        %rem3A_523 = arith.remsi %add3A_505, %jit3A_506 : i32
        %ne3A_524 = arith.constant 0 : i32
        %ne3A_525 = arith.cmpi ne, %rem3A_523, %ne3A_524 : i32
        %and3A_526 = arith.andi %ne3A_522, %ne3A_525 : i1
        %sub3A_527 = arith.constant 1 : i32
        %sub3A_528 = arith.subi %div3A_507, %sub3A_527 : i32
        %select_n3A_529 = arith.select %and3A_526, %sub3A_528, %div3A_507 : i32
        %add3A_530 = arith.addi %mul3A_2, %select_n3A_529 : i32
        %jit3A_531 = arith.constant 8 : i32
        %eq3A_532 = arith.constant 0 : i32
        %eq3A_533 = arith.cmpi eq, %jit3A_531, %eq3A_532 : i32
        %jit3A_534 = arith.constant 1 : i32
        %select_n3A_535 = arith.select %eq3A_533, %jit3A_534, %jit3A_531 : i32
        %rem3A_536 = arith.remsi %add3A_505, %select_n3A_535 : i32
        %ne3A_537 = arith.constant 0 : i32
        %ne3A_538 = arith.cmpi ne, %rem3A_536, %ne3A_537 : i32
        %lt3A_539 = arith.constant 0 : i32
        %lt3A_540 = arith.cmpi slt, %rem3A_536, %lt3A_539 : i32
        %lt3A_541 = arith.constant 0 : i32
        %lt3A_542 = arith.cmpi slt, %select_n3A_535, %lt3A_541 : i32
        %ne3A_543 = arith.xori %lt3A_540, %lt3A_542 : i1
        %and3A_544 = arith.andi %ne3A_543, %ne3A_538 : i1
        %add3A_545 = arith.addi %rem3A_536, %select_n3A_535 : i32
        %select_n3A_546 = arith.select %and3A_544, %add3A_545, %rem3A_536 : i32
        %dma_start3A_547 = arith.constant 0 : i32
        %dma_start3A_548 = arith.constant 0 : i32
        %dma_start3A_549 = tpu.memref_slice %arg2[%add3A_530, %select_n3A_546, %dma_start3A_547, %dma_start3A_548] : memref<192x8x64x512xf32, #tpu.memory_space<hbm>> -> memref<1x1x64x512xf32, #tpu.memory_space<hbm>>
        %dma_start3A_550 = tpu.memref_squeeze %dma_start3A_549 : memref<1x1x64x512xf32, #tpu.memory_space<hbm>> -> memref<64x512xf32, #tpu.memory_space<hbm>>
        %dma_start3A_551 = arith.constant 0 : i32
        %dma_start3A_552 = arith.constant 0 : i32
        %dma_start3A_553 = tpu.memref_slice %arg2[%add3A_530, %select_n3A_546, %dma_start3A_551, %dma_start3A_552] : memref<192x8x64x512xf32, #tpu.memory_space<hbm>> -> memref<1x1x64x512xf32, #tpu.memory_space<hbm>>
        %dma_start3A_554 = tpu.memref_squeeze %dma_start3A_553 : memref<1x1x64x512xf32, #tpu.memory_space<hbm>> -> memref<64x512xf32, #tpu.memory_space<hbm>>
        tpu.enqueue_dma source(%dma_start3A_554 : memref<64x512xf32, #tpu.memory_space<hbm>>) target(%arg13 : memref<64x512xf32, #tpu.memory_space<vmem>>) target_semaphore(%arg16 : memref<!tpu.dma_semaphore, #tpu.memory_space<semaphore_mem>>)
      } else {
      }
    }
    %scan3A_36 = arith.constant 16 : i32
    %add3A_37 = arith.constant 5 : i32
    %add3A_38 = arith.addi %mul3A_2, %add3A_37 : i32
    %dma_wait3A = arith.constant 5 : i32
    %dma_wait3A_39 = arith.constant 0 : i32
    %dma_wait3A_40 = arith.constant 0 : i32
    %dma_wait3A_41 = tpu.memref_slice %arg7[%add3A_38, %dma_wait3A, %dma_wait3A_39, %dma_wait3A_40] : memref<192x8x64x512xf32, #tpu.memory_space<hbm>> -> memref<1x1x64x512xf32, #tpu.memory_space<hbm>>
    %dma_wait3A_42 = tpu.memref_squeeze %dma_wait3A_41 : memref<1x1x64x512xf32, #tpu.memory_space<hbm>> -> memref<64x512xf32, #tpu.memory_space<hbm>>
    %dma_wait3A_43 = arith.constant 0 : i32
    %dma_wait3A_44 = arith.constant 0 : i32
    %dma_wait3A_45 = tpu.memref_slice %arg7[%add3A_38, %dma_wait3A, %dma_wait3A_43, %dma_wait3A_44] : memref<192x8x64x512xf32, #tpu.memory_space<hbm>> -> memref<1x1x64x512xf32, #tpu.memory_space<hbm>>
    %dma_wait3A_46 = tpu.memref_squeeze %dma_wait3A_45 : memref<1x1x64x512xf32, #tpu.memory_space<hbm>> -> memref<64x512xf32, #tpu.memory_space<hbm>>
    tpu.wait_dma2 semaphore(%arg18 : memref<!tpu.dma_semaphore, #tpu.memory_space<semaphore_mem>>) src(%arg12 : memref<64x512xf32, #tpu.memory_space<vmem>>) dst(%dma_wait3A_46 : memref<64x512xf32, #tpu.memory_space<hbm>>)
    %add3A_47 = arith.constant 5 : i32
    %add3A_48 = arith.addi %mul3A_2, %add3A_47 : i32
    %dma_wait3A_49 = arith.constant 6 : i32
    %dma_wait3A_50 = arith.constant 0 : i32
    %dma_wait3A_51 = arith.constant 0 : i32
    %dma_wait3A_52 = tpu.memref_slice %arg7[%add3A_48, %dma_wait3A_49, %dma_wait3A_50, %dma_wait3A_51] : memref<192x8x64x512xf32, #tpu.memory_space<hbm>> -> memref<1x1x64x512xf32, #tpu.memory_space<hbm>>
    %dma_wait3A_53 = tpu.memref_squeeze %dma_wait3A_52 : memref<1x1x64x512xf32, #tpu.memory_space<hbm>> -> memref<64x512xf32, #tpu.memory_space<hbm>>
    %dma_wait3A_54 = arith.constant 0 : i32
    %dma_wait3A_55 = arith.constant 0 : i32
    %dma_wait3A_56 = tpu.memref_slice %arg7[%add3A_48, %dma_wait3A_49, %dma_wait3A_54, %dma_wait3A_55] : memref<192x8x64x512xf32, #tpu.memory_space<hbm>> -> memref<1x1x64x512xf32, #tpu.memory_space<hbm>>
    %dma_wait3A_57 = tpu.memref_squeeze %dma_wait3A_56 : memref<1x1x64x512xf32, #tpu.memory_space<hbm>> -> memref<64x512xf32, #tpu.memory_space<hbm>>
    tpu.wait_dma2 semaphore(%arg19 : memref<!tpu.dma_semaphore, #tpu.memory_space<semaphore_mem>>) src(%arg13 : memref<64x512xf32, #tpu.memory_space<vmem>>) dst(%dma_wait3A_57 : memref<64x512xf32, #tpu.memory_space<hbm>>)
    %add3A_58 = arith.constant 5 : i32
    %add3A_59 = arith.addi %mul3A_2, %add3A_58 : i32
    %dma_wait3A_60 = arith.constant 7 : i32
    %dma_wait3A_61 = arith.constant 0 : i32
    %dma_wait3A_62 = arith.constant 0 : i32
    %dma_wait3A_63 = tpu.memref_slice %arg7[%add3A_59, %dma_wait3A_60, %dma_wait3A_61, %dma_wait3A_62] : memref<192x8x64x512xf32, #tpu.memory_space<hbm>> -> memref<1x1x64x512xf32, #tpu.memory_space<hbm>>
    %dma_wait3A_64 = tpu.memref_squeeze %dma_wait3A_63 : memref<1x1x64x512xf32, #tpu.memory_space<hbm>> -> memref<64x512xf32, #tpu.memory_space<hbm>>
    %dma_wait3A_65 = arith.constant 0 : i32
    %dma_wait3A_66 = arith.constant 0 : i32
    %dma_wait3A_67 = tpu.memref_slice %arg7[%add3A_59, %dma_wait3A_60, %dma_wait3A_65, %dma_wait3A_66] : memref<192x8x64x512xf32, #tpu.memory_space<hbm>> -> memref<1x1x64x512xf32, #tpu.memory_space<hbm>>
    %dma_wait3A_68 = tpu.memref_squeeze %dma_wait3A_67 : memref<1x1x64x512xf32, #tpu.memory_space<hbm>> -> memref<64x512xf32, #tpu.memory_space<hbm>>
    tpu.wait_dma2 semaphore(%arg20 : memref<!tpu.dma_semaphore, #tpu.memory_space<semaphore_mem>>) src(%arg14 : memref<64x512xf32, #tpu.memory_space<vmem>>) dst(%dma_wait3A_68 : memref<64x512xf32, #tpu.memory_space<hbm>>)
    return
  }
}

module attributes {stable_mosaic.version = 14 : i64} {
  func.func @_stats_body(%arg0: i32, %arg1: memref<8x512x512xf32, #tpu.memory_space<vmem>>, %arg2: memref<1x64x512xf32, #tpu.memory_space<vmem>>, %arg3: memref<1x64x512xf32, #tpu.memory_space<vmem>>, %arg4: memref<1x256x32xf32, #tpu.memory_space<vmem>>) attributes {dimension_semantics = [#tpu.dimension_semantics<arbitrary>], iteration_bounds = array<i64: 24>, scalar_prefetch = 0 : i64, scratch_operands = 0 : i64, tpu.core_type = #tpu.core_type<tc>, window_params = [{transform_indices = @transform_0, window_bounds = array<i64: 8, 512, 512>}, {transform_indices = @transform_1, window_bounds = array<i64: 1, 64, 512>}, {transform_indices = @transform_2, window_bounds = array<i64: 1, 64, 512>}, {transform_indices = @transform_3, window_bounds = array<i64: 1, 256, 32>}]} {
    %get3A = arith.constant 0 : index
    %get3A_0 = arith.constant 0 : index
    %get3A_1 = arith.constant 0 : index
    %get3A_2 = vector.load %arg1[%get3A, %get3A_0, %get3A_1] : memref<8x512x512xf32, #tpu.memory_space<vmem>>, vector<8x512x512xf32>
    %reshape3A = vector.shape_cast %get3A_2 : vector<8x512x512xf32> to vector<8x64x8x512xf32>
    %reduce_min3A = arith.constant dense<0x7F800000> : vector<8x8x512xf32>
    %reduce_min3A_3 = vector.multi_reduction <minimumf>, %reshape3A, %reduce_min3A [1] : vector<8x64x8x512xf32> to vector<8x8x512xf32>
    %reshape3A_4 = vector.shape_cast %reduce_min3A_3 : vector<8x8x512xf32> to vector<64x512xf32>
    %swap3A = arith.constant 0 : index
    %swap3A_5 = arith.constant 0 : index
    %swap3A_6 = arith.constant 0 : index
    %swap3A_7 = vector.load %arg2[%swap3A, %swap3A_5, %swap3A_6] : memref<1x64x512xf32, #tpu.memory_space<vmem>>, vector<1x64x512xf32>
    %swap3A_8 = vector.shape_cast %swap3A_7 : vector<1x64x512xf32> to vector<64x512xf32>
    %swap3A_9 = vector.shape_cast %reshape3A_4 : vector<64x512xf32> to vector<1x64x512xf32>
    tpu.vector_store %arg2[%swap3A, %swap3A_5, %swap3A_6], %swap3A_9 {strides = array<i32>} : memref<1x64x512xf32, #tpu.memory_space<vmem>>, vector<1x64x512xf32>,
    %reshape3A_10 = vector.shape_cast %get3A_2 : vector<8x512x512xf32> to vector<8x64x8x512xf32>
    %reduce_max3A = arith.constant dense<0xFF800000> : vector<8x8x512xf32>
    %reduce_max3A_11 = vector.multi_reduction <maximumf>, %reshape3A_10, %reduce_max3A [1] : vector<8x64x8x512xf32> to vector<8x8x512xf32>
    %reshape3A_12 = vector.shape_cast %reduce_max3A_11 : vector<8x8x512xf32> to vector<64x512xf32>
    %swap3A_13 = arith.constant 0 : index
    %swap3A_14 = arith.constant 0 : index
    %swap3A_15 = arith.constant 0 : index
    %swap3A_16 = vector.load %arg3[%swap3A_13, %swap3A_14, %swap3A_15] : memref<1x64x512xf32, #tpu.memory_space<vmem>>, vector<1x64x512xf32>
    %swap3A_17 = vector.shape_cast %swap3A_16 : vector<1x64x512xf32> to vector<64x512xf32>
    %swap3A_18 = vector.shape_cast %reshape3A_12 : vector<64x512xf32> to vector<1x64x512xf32>
    tpu.vector_store %arg3[%swap3A_13, %swap3A_14, %swap3A_15], %swap3A_18 {strides = array<i32>} : memref<1x64x512xf32, #tpu.memory_space<vmem>>, vector<1x64x512xf32>,
    %reshape3A_19 = vector.shape_cast %get3A_2 : vector<8x512x512xf32> to vector<256x16x512xf32>
    %reduce_sum3A = arith.constant dense<0.000000e+00> : vector<256x512xf32>
    %reduce_sum3A_20 = vector.multi_reduction <add>, %reshape3A_19, %reduce_sum3A [1] : vector<256x16x512xf32> to vector<256x512xf32>
    %iota3A = tpu.iota {dimensions = array<i32: 0>} : vector<512x32xi32>
    %iota3A_21 = tpu.iota {dimensions = array<i32: 1>} : vector<512x32xi32>
    %jit3A = arith.constant 16 : i32
    %div3A = vector.broadcast %jit3A : i32 to vector<512x32xi32>
    %div3A_22 = arith.divsi %iota3A, %div3A : vector<512x32xi32>
    %sign3A = arith.constant 0 : i32
    %sign3A_23 = vector.broadcast %sign3A : i32 to vector<512x32xi32>
    %sign3A_24 = arith.cmpi sgt, %iota3A, %sign3A_23 : vector<512x32xi32>
    %sign3A_25 = arith.extui %sign3A_24 : vector<512x32xi1> to vector<512x32xi32>
    %sign3A_26 = arith.constant 0 : i32
    %sign3A_27 = vector.broadcast %sign3A_26 : i32 to vector<512x32xi32>
    %sign3A_28 = arith.cmpi slt, %iota3A, %sign3A_27 : vector<512x32xi32>
    %sign3A_29 = arith.extui %sign3A_28 : vector<512x32xi1> to vector<512x32xi32>
    %sign3A_30 = arith.subi %sign3A_25, %sign3A_29 : vector<512x32xi32>
    %sign3A_31 = arith.constant 0 : i32
    %sign3A_32 = arith.cmpi sgt, %jit3A, %sign3A_31 : i32
    %sign3A_33 = arith.extui %sign3A_32 : i1 to i32
    %sign3A_34 = arith.constant 0 : i32
    %sign3A_35 = arith.cmpi slt, %jit3A, %sign3A_34 : i32
    %sign3A_36 = arith.extui %sign3A_35 : i1 to i32
    %sign3A_37 = arith.subi %sign3A_33, %sign3A_36 : i32
    %ne3A = vector.broadcast %sign3A_37 : i32 to vector<512x32xi32>
    %ne3A_38 = arith.cmpi ne, %sign3A_30, %ne3A : vector<512x32xi32>
    %rem3A = vector.broadcast %jit3A : i32 to vector<512x32xi32>
    %rem3A_39 = arith.remsi %iota3A, %rem3A : vector<512x32xi32>
    %ne3A_40 = arith.constant 0 : i32
    %ne3A_41 = vector.broadcast %ne3A_40 : i32 to vector<512x32xi32>
    %ne3A_42 = arith.cmpi ne, %rem3A_39, %ne3A_41 : vector<512x32xi32>
    %and3A = arith.andi %ne3A_38, %ne3A_42 : vector<512x32xi1>
    %sub3A = arith.constant 1 : i32
    %sub3A_43 = vector.broadcast %sub3A : i32 to vector<512x32xi32>
    %sub3A_44 = arith.subi %div3A_22, %sub3A_43 : vector<512x32xi32>
    %select_n3A = arith.select %and3A, %sub3A_44, %div3A_22 : vector<512x32xi1>, vector<512x32xi32>
    %eq3A = arith.cmpi eq, %select_n3A, %iota3A_21 : vector<512x32xi32>
    %convert_element_type3A = arith.extui %eq3A : vector<512x32xi1> to vector<512x32xi32>
    %convert_element_type3A_45 = arith.sitofp %convert_element_type3A : vector<512x32xi32> to vector<512x32xf32>
    %dot_general3A = arith.constant dense<0.000000e+00> : vector<256x32xf32>
    %dot_general3A_46 = tpu.matmul %reduce_sum3A_20, %convert_element_type3A_45, %dot_general3A {dimension_numbers = #tpu.dot_dimension_numbers<[1], [0], [0], [1], [0, 0, 1, 1], [], []>, transpose_lhs_hint = false} : vector<256x512xf32>, vector<512x32xf32>, vector<256x32xf32> -> vector<256x32xf32>
    %swap3A_47 = arith.constant 0 : index
    %swap3A_48 = arith.constant 0 : index
    %swap3A_49 = arith.constant 0 : index
    %swap3A_50 = vector.load %arg4[%swap3A_47, %swap3A_48, %swap3A_49] : memref<1x256x32xf32, #tpu.memory_space<vmem>>, vector<1x256x32xf32>
    %swap3A_51 = vector.shape_cast %swap3A_50 : vector<1x256x32xf32> to vector<256x32xf32>
    %swap3A_52 = vector.shape_cast %dot_general3A_46 : vector<256x32xf32> to vector<1x256x32xf32>
    tpu.vector_store %arg4[%swap3A_47, %swap3A_48, %swap3A_49], %swap3A_52 {strides = array<i32>} : memref<1x256x32xf32, #tpu.memory_space<vmem>>, vector<1x256x32xf32>,
    return
  }
  func.func @transform_0(%arg0: i32) -> (i32, i32, i32) {
    %c0_i32 = arith.constant 0 : i32
    %c0_i32_0 = arith.constant 0 : i32
    %c0_i32_1 = arith.constant 0 : i32
    return %arg0, %c0_i32, %c0_i32_0 : i32, i32, i32
  }
  func.func @transform_1(%arg0: i32) -> (i32, i32, i32) {
    %c0_i32 = arith.constant 0 : i32
    %c0_i32_0 = arith.constant 0 : i32
    %c0_i32_1 = arith.constant 0 : i32
    return %arg0, %c0_i32, %c0_i32_0 : i32, i32, i32
  }
  func.func @transform_2(%arg0: i32) -> (i32, i32, i32) {
    %c0_i32 = arith.constant 0 : i32
    %c0_i32_0 = arith.constant 0 : i32
    %c0_i32_1 = arith.constant 0 : i32
    return %arg0, %c0_i32, %c0_i32_0 : i32, i32, i32
  }
  func.func @transform_3(%arg0: i32) -> (i32, i32, i32) {
    %c0_i32 = arith.constant 0 : i32
    %c0_i32_0 = arith.constant 0 : i32
    %c0_i32_1 = arith.constant 0 : i32
    return %arg0, %c0_i32, %c0_i32_0 : i32, i32, i32
  }
}

module attributes {stable_mosaic.version = 14 : i64} {
  func.func @_lut_body(%arg0: memref<192x1024xf32, #tpu.memory_space<vmem>>, %arg1: memref<192x4096xf32, #tpu.memory_space<vmem>>, %arg2: memref<192x4096xf32, #tpu.memory_space<vmem>>, %arg3: memref<128x80xf32, #tpu.memory_space<vmem>>, %arg4: memref<128x1xf32, #tpu.memory_space<vmem>>, %arg5: memref<128x5xf32, #tpu.memory_space<vmem>>, %arg6: memref<128x1xf32, #tpu.memory_space<vmem>>, %arg7: memref<16x128xf32, #tpu.memory_space<vmem>>, %arg8: memref<16x1xf32, #tpu.memory_space<vmem>>, %arg9: memref<1x1xf32, #tpu.memory_space<smem>>, %arg10: memref<192x64xf32, #tpu.memory_space<vmem>>, %arg11: memref<192x64xf32, #tpu.memory_space<vmem>>, %arg12: memref<192x16xf32, #tpu.memory_space<vmem>>, %arg13: memref<192x16xf32, #tpu.memory_space<vmem>>) attributes {dimension_semantics = [], scalar_prefetch = 0 : i64, scratch_operands = 0 : i64, tpu.core_type = #tpu.core_type<tc>} {
    %get3A = arith.constant 0 : index
    %get3A_0 = arith.constant 0 : index
    %get3A_1 = vector.load %arg1[%get3A, %get3A_0] : memref<192x4096xf32, #tpu.memory_space<vmem>>, vector<192x4096xf32>
    %reduce_min3A = arith.constant dense<0x7F800000> : vector<192xf32>
    %reduce_min3A_2 = vector.multi_reduction <minimumf>, %get3A_1, %reduce_min3A [1] : vector<192x4096xf32> to vector<192xf32>
    %broadcast_in_dim3A = vector.shape_cast %reduce_min3A_2 : vector<192xf32> to vector<192x1xf32>
    %get3A_3 = arith.constant 0 : index
    %get3A_4 = arith.constant 0 : index
    %get3A_5 = vector.load %arg2[%get3A_3, %get3A_4] : memref<192x4096xf32, #tpu.memory_space<vmem>>, vector<192x4096xf32>
    %reduce_max3A = arith.constant dense<0xFF800000> : vector<192xf32>
    %reduce_max3A_6 = vector.multi_reduction <maximumf>, %get3A_5, %reduce_max3A [1] : vector<192x4096xf32> to vector<192xf32>
    %broadcast_in_dim3A_7 = vector.shape_cast %reduce_max3A_6 : vector<192xf32> to vector<192x1xf32>
    %sub3A = arith.subf %broadcast_in_dim3A_7, %broadcast_in_dim3A : vector<192x1xf32>
    %add3A = arith.constant 9.99999997E-7 : f32
    %add3A_8 = vector.broadcast %add3A : f32 to vector<192x1xf32>
    %add3A_9 = arith.addf %sub3A, %add3A_8 : vector<192x1xf32>
    %div3A = arith.constant 1.000000e+00 : f32
    %div3A_10 = vector.broadcast %div3A : f32 to vector<192x1xf32>
    %div3A_11 = arith.divf %div3A_10, %add3A_9 : vector<192x1xf32>
    %get3A_12 = arith.constant 0 : index
    %get3A_13 = arith.constant 0 : index
    %get3A_14 = vector.load %arg0[%get3A_12, %get3A_13] : memref<192x1024xf32, #tpu.memory_space<vmem>>, vector<192x1024xf32>
    %mul3A = arith.constant 3.906250e-03 : f32
    %mul3A_15 = vector.broadcast %mul3A : f32 to vector<192x1024xf32>
    %mul3A_16 = arith.mulf %get3A_14, %mul3A_15 : vector<192x1024xf32>
    %sub3A_17 = vector.broadcast %broadcast_in_dim3A : vector<192x1xf32> to vector<192x1024xf32>
    %sub3A_18 = arith.subf %mul3A_16, %sub3A_17 : vector<192x1024xf32>
    %mul3A_19 = vector.broadcast %div3A_11 : vector<192x1xf32> to vector<192x1024xf32>
    %mul3A_20 = arith.mulf %sub3A_18, %mul3A_19 : vector<192x1024xf32>
    %iota3A = tpu.iota {dimensions = array<i32: 0>} : vector<32x192xi32>
    %iota3A_21 = tpu.iota {dimensions = array<i32: 1>} : vector<32x192xi32>
    %jit3A = arith.constant 96 : i32
    %div3A_22 = vector.broadcast %jit3A : i32 to vector<32x192xi32>
    %div3A_23 = arith.divsi %iota3A_21, %div3A_22 : vector<32x192xi32>
    %sign3A = arith.constant 0 : i32
    %sign3A_24 = vector.broadcast %sign3A : i32 to vector<32x192xi32>
    %sign3A_25 = arith.cmpi sgt, %iota3A_21, %sign3A_24 : vector<32x192xi32>
    %sign3A_26 = arith.extui %sign3A_25 : vector<32x192xi1> to vector<32x192xi32>
    %sign3A_27 = arith.constant 0 : i32
    %sign3A_28 = vector.broadcast %sign3A_27 : i32 to vector<32x192xi32>
    %sign3A_29 = arith.cmpi slt, %iota3A_21, %sign3A_28 : vector<32x192xi32>
    %sign3A_30 = arith.extui %sign3A_29 : vector<32x192xi1> to vector<32x192xi32>
    %sign3A_31 = arith.subi %sign3A_26, %sign3A_30 : vector<32x192xi32>
    %sign3A_32 = arith.constant 0 : i32
    %sign3A_33 = arith.cmpi sgt, %jit3A, %sign3A_32 : i32
    %sign3A_34 = arith.extui %sign3A_33 : i1 to i32
    %sign3A_35 = arith.constant 0 : i32
    %sign3A_36 = arith.cmpi slt, %jit3A, %sign3A_35 : i32
    %sign3A_37 = arith.extui %sign3A_36 : i1 to i32
    %sign3A_38 = arith.subi %sign3A_34, %sign3A_37 : i32
    %ne3A = vector.broadcast %sign3A_38 : i32 to vector<32x192xi32>
    %ne3A_39 = arith.cmpi ne, %sign3A_31, %ne3A : vector<32x192xi32>
    %rem3A = vector.broadcast %jit3A : i32 to vector<32x192xi32>
    %rem3A_40 = arith.remsi %iota3A_21, %rem3A : vector<32x192xi32>
    %ne3A_41 = arith.constant 0 : i32
    %ne3A_42 = vector.broadcast %ne3A_41 : i32 to vector<32x192xi32>
    %ne3A_43 = arith.cmpi ne, %rem3A_40, %ne3A_42 : vector<32x192xi32>
    %and3A = arith.andi %ne3A_39, %ne3A_43 : vector<32x192xi1>
    %sub3A_44 = arith.constant 1 : i32
    %sub3A_45 = vector.broadcast %sub3A_44 : i32 to vector<32x192xi32>
    %sub3A_46 = arith.subi %div3A_23, %sub3A_45 : vector<32x192xi32>
    %select_n3A = arith.select %and3A, %sub3A_46, %div3A_23 : vector<32x192xi1>, vector<32x192xi32>
    %mul3A_47 = arith.constant 16 : i32
    %mul3A_48 = vector.broadcast %mul3A_47 : i32 to vector<32x192xi32>
    %mul3A_49 = arith.muli %select_n3A, %mul3A_48 : vector<32x192xi32>
    %jit3A_50 = arith.constant 96 : i32
    %eq3A = arith.constant 0 : i32
    %eq3A_51 = arith.cmpi eq, %jit3A_50, %eq3A : i32
    %jit3A_52 = arith.constant 1 : i32
    %select_n3A_53 = arith.select %eq3A_51, %jit3A_52, %jit3A_50 : i32
    %rem3A_54 = vector.broadcast %select_n3A_53 : i32 to vector<32x192xi32>
    %rem3A_55 = arith.remsi %iota3A_21, %rem3A_54 : vector<32x192xi32>
    %ne3A_56 = arith.constant 0 : i32
    %ne3A_57 = vector.broadcast %ne3A_56 : i32 to vector<32x192xi32>
    %ne3A_58 = arith.cmpi ne, %rem3A_55, %ne3A_57 : vector<32x192xi32>
    %lt3A = arith.constant 0 : i32
    %lt3A_59 = vector.broadcast %lt3A : i32 to vector<32x192xi32>
    %lt3A_60 = arith.cmpi slt, %rem3A_55, %lt3A_59 : vector<32x192xi32>
    %lt3A_61 = arith.constant 0 : i32
    %lt3A_62 = arith.cmpi slt, %select_n3A_53, %lt3A_61 : i32
    %ne3A_63 = vector.broadcast %lt3A_62 : i1 to vector<32x192xi1>
    %ne3A_64 = vector.broadcast %ne3A_63 : vector<32x192xi1> to vector<32x192xi1>
    %ne3A_65 = arith.xori %lt3A_60, %ne3A_64 : vector<32x192xi1>
    %and3A_66 = arith.andi %ne3A_65, %ne3A_58 : vector<32x192xi1>
    %add3A_67 = vector.broadcast %select_n3A_53 : i32 to vector<32x192xi32>
    %add3A_68 = arith.addi %rem3A_55, %add3A_67 : vector<32x192xi32>
    %select_n3A_69 = arith.select %and3A_66, %add3A_68, %rem3A_55 : vector<32x192xi1>, vector<32x192xi32>
    %jit3A_70 = arith.constant 6 : i32
    %div3A_71 = vector.broadcast %jit3A_70 : i32 to vector<32x192xi32>
    %div3A_72 = arith.divsi %select_n3A_69, %div3A_71 : vector<32x192xi32>
    %sign3A_73 = arith.constant 0 : i32
    %sign3A_74 = vector.broadcast %sign3A_73 : i32 to vector<32x192xi32>
    %sign3A_75 = arith.cmpi sgt, %select_n3A_69, %sign3A_74 : vector<32x192xi32>
    %sign3A_76 = arith.extui %sign3A_75 : vector<32x192xi1> to vector<32x192xi32>
    %sign3A_77 = arith.constant 0 : i32
    %sign3A_78 = vector.broadcast %sign3A_77 : i32 to vector<32x192xi32>
    %sign3A_79 = arith.cmpi slt, %select_n3A_69, %sign3A_78 : vector<32x192xi32>
    %sign3A_80 = arith.extui %sign3A_79 : vector<32x192xi1> to vector<32x192xi32>
    %sign3A_81 = arith.subi %sign3A_76, %sign3A_80 : vector<32x192xi32>
    %sign3A_82 = arith.constant 0 : i32
    %sign3A_83 = arith.cmpi sgt, %jit3A_70, %sign3A_82 : i32
    %sign3A_84 = arith.extui %sign3A_83 : i1 to i32
    %sign3A_85 = arith.constant 0 : i32
    %sign3A_86 = arith.cmpi slt, %jit3A_70, %sign3A_85 : i32
    %sign3A_87 = arith.extui %sign3A_86 : i1 to i32
    %sign3A_88 = arith.subi %sign3A_84, %sign3A_87 : i32
    %ne3A_89 = vector.broadcast %sign3A_88 : i32 to vector<32x192xi32>
    %ne3A_90 = arith.cmpi ne, %sign3A_81, %ne3A_89 : vector<32x192xi32>
    %rem3A_91 = vector.broadcast %jit3A_70 : i32 to vector<32x192xi32>
    %rem3A_92 = arith.remsi %select_n3A_69, %rem3A_91 : vector<32x192xi32>
    %ne3A_93 = arith.constant 0 : i32
    %ne3A_94 = vector.broadcast %ne3A_93 : i32 to vector<32x192xi32>
    %ne3A_95 = arith.cmpi ne, %rem3A_92, %ne3A_94 : vector<32x192xi32>
    %and3A_96 = arith.andi %ne3A_90, %ne3A_95 : vector<32x192xi1>
    %sub3A_97 = arith.constant 1 : i32
    %sub3A_98 = vector.broadcast %sub3A_97 : i32 to vector<32x192xi32>
    %sub3A_99 = arith.subi %div3A_72, %sub3A_98 : vector<32x192xi32>
    %select_n3A_100 = arith.select %and3A_96, %sub3A_99, %div3A_72 : vector<32x192xi1>, vector<32x192xi32>
    %add3A_101 = arith.addi %mul3A_49, %select_n3A_100 : vector<32x192xi32>
    %eq3A_102 = arith.cmpi eq, %add3A_101, %iota3A : vector<32x192xi32>
    %jit3A_103 = arith.constant 0.166666672 : f32
    %jit3A_104 = arith.constant 0.000000e+00 : f32
    %broadcast_in_dim3A_105 = vector.broadcast %jit3A_103 : f32 to vector<32x192xf32>
    %broadcast_in_dim3A_106 = vector.broadcast %jit3A_104 : f32 to vector<32x192xf32>
    %select_n3A_107 = arith.select %eq3A_102, %broadcast_in_dim3A_105, %broadcast_in_dim3A_106 : vector<32x192xi1>, vector<32x192xf32>
    %dot_general3A = arith.constant dense<0.000000e+00> : vector<32x1024xf32>
    %dot_general3A_108 = tpu.matmul %select_n3A_107, %mul3A_20, %dot_general3A {dimension_numbers = #tpu.dot_dimension_numbers<[1], [0], [0], [1], [0, 0, 1, 1], [], []>, transpose_lhs_hint = false} : vector<32x192xf32>, vector<192x1024xf32>, vector<32x1024xf32> -> vector<32x1024xf32>
    %mul3A_109 = arith.constant 6.300000e+01 : f32
    %mul3A_110 = vector.broadcast %mul3A_109 : f32 to vector<32x1024xf32>
    %mul3A_111 = arith.mulf %dot_general3A_108, %mul3A_110 : vector<32x1024xf32>
    %round3A = math.roundeven %mul3A_111 : vector<32x1024xf32>
    %convert_element_type3A = arith.fptosi %round3A : vector<32x1024xf32> to vector<32x1024xi32>
    %jit3A_112 = arith.constant 0 : i32
    %jit3A_113 = arith.constant 63 : i32
    %max3A = vector.broadcast %jit3A_112 : i32 to vector<32x1024xi32>
    %max3A_114 = arith.maxsi %max3A, %convert_element_type3A : vector<32x1024xi32>
    %min3A = vector.broadcast %jit3A_113 : i32 to vector<32x1024xi32>
    %min3A_115 = arith.minsi %min3A, %max3A_114 : vector<32x1024xi32>
    %iota3A_116 = tpu.iota {dimensions = array<i32: 2>} : vector<32x1024x64xi32>
    %broadcast_in_dim3A_117 = vector.shape_cast %min3A_115 : vector<32x1024xi32> to vector<32x1024x1xi32>
    %eq3A_118 = vector.broadcast %broadcast_in_dim3A_117 : vector<32x1024x1xi32> to vector<32x1024x64xi32>
    %eq3A_119 = arith.cmpi eq, %eq3A_118, %iota3A_116 : vector<32x1024x64xi32>
    %convert_element_type3A_120 = arith.extui %eq3A_119 : vector<32x1024x64xi1> to vector<32x1024x64xi32>
    %convert_element_type3A_121 = arith.sitofp %convert_element_type3A_120 : vector<32x1024x64xi32> to vector<32x1024x64xf32>
    %reduce_sum3A = arith.constant dense<0.000000e+00> : vector<32x64xf32>
    %reduce_sum3A_122 = vector.multi_reduction <add>, %convert_element_type3A_121, %reduce_sum3A [1] : vector<32x1024x64xf32> to vector<32x64xf32>
    %reduce_sum3A_123 = arith.constant dense<0.000000e+00> : vector<32xf32>
    %reduce_sum3A_124 = vector.multi_reduction <add>, %reduce_sum3A_122, %reduce_sum3A_123 [1] : vector<32x64xf32> to vector<32xf32>
    %broadcast_in_dim3A_125 = vector.shape_cast %reduce_sum3A_124 : vector<32xf32> to vector<32x1xf32>
    %add3A_126 = arith.constant 9.99999997E-7 : f32
    %add3A_127 = vector.broadcast %add3A_126 : f32 to vector<32x1xf32>
    %add3A_128 = arith.addf %broadcast_in_dim3A_125, %add3A_127 : vector<32x1xf32>
    %div3A_129 = vector.broadcast %add3A_128 : vector<32x1xf32> to vector<32x64xf32>
    %div3A_130 = arith.divf %reduce_sum3A_122, %div3A_129 : vector<32x64xf32>
    %iota3A_131 = tpu.iota {dimensions = array<i32: 0>} : vector<64x64xi32>
    %iota3A_132 = tpu.iota {dimensions = array<i32: 1>} : vector<64x64xi32>
    %le3A = arith.cmpi sle, %iota3A_131, %iota3A_132 : vector<64x64xi32>
    %convert_element_type3A_133 = arith.extui %le3A : vector<64x64xi1> to vector<64x64xi32>
    %convert_element_type3A_134 = arith.sitofp %convert_element_type3A_133 : vector<64x64xi32> to vector<64x64xf32>
    %dot_general3A_135 = arith.constant dense<0.000000e+00> : vector<32x64xf32>
    %dot_general3A_136 = tpu.matmul %div3A_130, %convert_element_type3A_134, %dot_general3A_135 {dimension_numbers = #tpu.dot_dimension_numbers<[1], [0], [0], [1], [0, 0, 1, 1], [], []>, transpose_lhs_hint = false} : vector<32x64xf32>, vector<64x64xf32>, vector<32x64xf32> -> vector<32x64xf32>
    %slice3A = vector.extract_strided_slice %dot_general3A_136 {offsets = [0, 0], sizes = [16, 64], strides = [1, 1]} : vector<32x64xf32> to vector<16x64xf32>
    %slice3A_137 = vector.extract_strided_slice %dot_general3A_136 {offsets = [16, 0], sizes = [16, 64], strides = [1, 1]} : vector<32x64xf32> to vector<16x64xf32>
    %add3A_138 = arith.addf %slice3A, %slice3A_137 : vector<16x64xf32>
    %mul3A_139 = arith.constant 5.000000e-01 : f32
    %mul3A_140 = vector.broadcast %mul3A_139 : f32 to vector<16x64xf32>
    %mul3A_141 = arith.mulf %mul3A_140, %add3A_138 : vector<16x64xf32>
    %broadcast_in_dim3A_142 = arith.constant 0.000000e+00 : f32
    %broadcast_in_dim3A_143 = vector.broadcast %broadcast_in_dim3A_142 : f32 to vector<16x2xf32>
    %concatenate3A = tpu.concatenate %broadcast_in_dim3A_143, %mul3A_141, %broadcast_in_dim3A_143 in 1 : vector<16x2xf32>, vector<16x64xf32>, vector<16x2xf32> -> vector<16x68xf32>
    %slice3A_144 = vector.extract_strided_slice %concatenate3A {offsets = [0, 0], sizes = [16, 64], strides = [1, 1]} : vector<16x68xf32> to vector<16x64xf32>
    %slice3A_145 = vector.extract_strided_slice %concatenate3A {offsets = [0, 1], sizes = [16, 64], strides = [1, 1]} : vector<16x68xf32> to vector<16x64xf32>
    %slice3A_146 = vector.extract_strided_slice %concatenate3A {offsets = [0, 2], sizes = [16, 64], strides = [1, 1]} : vector<16x68xf32> to vector<16x64xf32>
    %slice3A_147 = vector.extract_strided_slice %concatenate3A {offsets = [0, 3], sizes = [16, 64], strides = [1, 1]} : vector<16x68xf32> to vector<16x64xf32>
    %slice3A_148 = vector.extract_strided_slice %concatenate3A {offsets = [0, 4], sizes = [16, 64], strides = [1, 1]} : vector<16x68xf32> to vector<16x64xf32>
    %concatenate3A_149 = tpu.concatenate %slice3A_144, %slice3A_145, %slice3A_146, %slice3A_147, %slice3A_148 in 0 : vector<16x64xf32>, vector<16x64xf32>, vector<16x64xf32>, vector<16x64xf32>, vector<16x64xf32> -> vector<80x64xf32>
    %get3A_150 = arith.constant 0 : index
    %get3A_151 = arith.constant 0 : index
    %get3A_152 = vector.load %arg3[%get3A_150, %get3A_151] : memref<128x80xf32, #tpu.memory_space<vmem>>, vector<128x80xf32>
    %dot_general3A_153 = arith.constant dense<0.000000e+00> : vector<128x64xf32>
    %dot_general3A_154 = tpu.matmul %get3A_152, %concatenate3A_149, %dot_general3A_153 {dimension_numbers = #tpu.dot_dimension_numbers<[1], [0], [0], [1], [0, 0, 1, 1], [], []>, transpose_lhs_hint = false} : vector<128x80xf32>, vector<80x64xf32>, vector<128x64xf32> -> vector<128x64xf32>
    %get3A_155 = arith.constant 0 : index
    %get3A_156 = arith.constant 0 : index
    %get3A_157 = vector.load %arg4[%get3A_155, %get3A_156] : memref<128x1xf32, #tpu.memory_space<vmem>>, vector<128x1xf32>
    %add3A_158 = vector.broadcast %get3A_157 : vector<128x1xf32> to vector<128x64xf32>
    %add3A_159 = arith.addf %dot_general3A_154, %add3A_158 : vector<128x64xf32>
    %max3A_160 = arith.constant 0.000000e+00 : f32
    %max3A_161 = vector.broadcast %max3A_160 : f32 to vector<128x64xf32>
    %max3A_162 = arith.maximumf %add3A_159, %max3A_161 : vector<128x64xf32>
    %broadcast_in_dim3A_163 = arith.constant 0.000000e+00 : f32
    %broadcast_in_dim3A_164 = vector.broadcast %broadcast_in_dim3A_163 : f32 to vector<128x2xf32>
    %concatenate3A_165 = tpu.concatenate %broadcast_in_dim3A_164, %max3A_162, %broadcast_in_dim3A_164 in 1 : vector<128x2xf32>, vector<128x64xf32>, vector<128x2xf32> -> vector<128x68xf32>
    %get3A_166 = arith.constant 0 : index
    %get3A_167 = arith.constant 0 : index
    %get3A_168 = vector.load %arg5[%get3A_166, %get3A_167] : memref<128x5xf32, #tpu.memory_space<vmem>>, vector<128x5xf32>
    %get3A_169 = arith.constant 0 : index
    %get3A_170 = arith.constant 0 : index
    %get3A_171 = vector.load %arg6[%get3A_169, %get3A_170] : memref<128x1xf32, #tpu.memory_space<vmem>>, vector<128x1xf32>
    %slice3A_172 = vector.extract_strided_slice %get3A_168 {offsets = [0, 0], sizes = [128, 1], strides = [1, 1]} : vector<128x5xf32> to vector<128x1xf32>
    %slice3A_173 = vector.extract_strided_slice %concatenate3A_165 {offsets = [0, 0], sizes = [128, 64], strides = [1, 1]} : vector<128x68xf32> to vector<128x64xf32>
    %mul3A_174 = vector.broadcast %slice3A_172 : vector<128x1xf32> to vector<128x64xf32>
    %mul3A_175 = arith.mulf %mul3A_174, %slice3A_173 : vector<128x64xf32>
    %add3A_176 = vector.broadcast %get3A_171 : vector<128x1xf32> to vector<128x64xf32>
    %add3A_177 = arith.addf %add3A_176, %mul3A_175 : vector<128x64xf32>
    %slice3A_178 = vector.extract_strided_slice %get3A_168 {offsets = [0, 1], sizes = [128, 1], strides = [1, 1]} : vector<128x5xf32> to vector<128x1xf32>
    %slice3A_179 = vector.extract_strided_slice %concatenate3A_165 {offsets = [0, 1], sizes = [128, 64], strides = [1, 1]} : vector<128x68xf32> to vector<128x64xf32>
    %mul3A_180 = vector.broadcast %slice3A_178 : vector<128x1xf32> to vector<128x64xf32>
    %mul3A_181 = arith.mulf %mul3A_180, %slice3A_179 : vector<128x64xf32>
    %add3A_182 = arith.addf %add3A_177, %mul3A_181 : vector<128x64xf32>
    %slice3A_183 = vector.extract_strided_slice %get3A_168 {offsets = [0, 2], sizes = [128, 1], strides = [1, 1]} : vector<128x5xf32> to vector<128x1xf32>
    %slice3A_184 = vector.extract_strided_slice %concatenate3A_165 {offsets = [0, 2], sizes = [128, 64], strides = [1, 1]} : vector<128x68xf32> to vector<128x64xf32>
    %mul3A_185 = vector.broadcast %slice3A_183 : vector<128x1xf32> to vector<128x64xf32>
    %mul3A_186 = arith.mulf %mul3A_185, %slice3A_184 : vector<128x64xf32>
    %add3A_187 = arith.addf %add3A_182, %mul3A_186 : vector<128x64xf32>
    %slice3A_188 = vector.extract_strided_slice %get3A_168 {offsets = [0, 3], sizes = [128, 1], strides = [1, 1]} : vector<128x5xf32> to vector<128x1xf32>
    %slice3A_189 = vector.extract_strided_slice %concatenate3A_165 {offsets = [0, 3], sizes = [128, 64], strides = [1, 1]} : vector<128x68xf32> to vector<128x64xf32>
    %mul3A_190 = vector.broadcast %slice3A_188 : vector<128x1xf32> to vector<128x64xf32>
    %mul3A_191 = arith.mulf %mul3A_190, %slice3A_189 : vector<128x64xf32>
    %add3A_192 = arith.addf %add3A_187, %mul3A_191 : vector<128x64xf32>
    %slice3A_193 = vector.extract_strided_slice %get3A_168 {offsets = [0, 4], sizes = [128, 1], strides = [1, 1]} : vector<128x5xf32> to vector<128x1xf32>
    %slice3A_194 = vector.extract_strided_slice %concatenate3A_165 {offsets = [0, 4], sizes = [128, 64], strides = [1, 1]} : vector<128x68xf32> to vector<128x64xf32>
    %mul3A_195 = vector.broadcast %slice3A_193 : vector<128x1xf32> to vector<128x64xf32>
    %mul3A_196 = arith.mulf %mul3A_195, %slice3A_194 : vector<128x64xf32>
    %add3A_197 = arith.addf %add3A_192, %mul3A_196 : vector<128x64xf32>
    %max3A_198 = arith.constant 0.000000e+00 : f32
    %max3A_199 = vector.broadcast %max3A_198 : f32 to vector<128x64xf32>
    %max3A_200 = arith.maximumf %add3A_197, %max3A_199 : vector<128x64xf32>
    %get3A_201 = arith.constant 0 : index
    %get3A_202 = arith.constant 0 : index
    %get3A_203 = vector.load %arg7[%get3A_201, %get3A_202] : memref<16x128xf32, #tpu.memory_space<vmem>>, vector<16x128xf32>
    %dot_general3A_204 = arith.constant dense<0.000000e+00> : vector<16x64xf32>
    %dot_general3A_205 = tpu.matmul %get3A_203, %max3A_200, %dot_general3A_204 {dimension_numbers = #tpu.dot_dimension_numbers<[1], [0], [0], [1], [0, 0, 1, 1], [], []>, transpose_lhs_hint = false} : vector<16x128xf32>, vector<128x64xf32>, vector<16x64xf32> -> vector<16x64xf32>
    %get3A_206 = arith.constant 0 : index
    %get3A_207 = arith.constant 0 : index
    %get3A_208 = vector.load %arg8[%get3A_206, %get3A_207] : memref<16x1xf32, #tpu.memory_space<vmem>>, vector<16x1xf32>
    %add3A_209 = vector.broadcast %get3A_208 : vector<16x1xf32> to vector<16x64xf32>
    %add3A_210 = arith.addf %dot_general3A_205, %add3A_209 : vector<16x64xf32>
    %max3A_211 = arith.constant 0.000000e+00 : f32
    %max3A_212 = vector.broadcast %max3A_211 : f32 to vector<16x64xf32>
    %max3A_213 = arith.maximumf %add3A_210, %max3A_212 : vector<16x64xf32>
    %abs3A = math.absf %add3A_210 : vector<16x64xf32>
    %neg3A = arith.constant 0.000000e+00 : f32
    %neg3A_214 = vector.broadcast %neg3A : f32 to vector<16x64xf32>
    %neg3A_215 = arith.subf %neg3A_214, %abs3A : vector<16x64xf32>
    %exp3A = math.exp %neg3A_215 : vector<16x64xf32>
    %add3A_216 = arith.constant 1.000000e+00 : f32
    %add3A_217 = vector.broadcast %add3A_216 : f32 to vector<16x64xf32>
    %add3A_218 = arith.addf %add3A_217, %exp3A : vector<16x64xf32>
    %log3A = math.log %add3A_218 : vector<16x64xf32>
    %add3A_219 = arith.addf %max3A_213, %log3A : vector<16x64xf32>
    %dot_general3A_220 = arith.constant dense<0.000000e+00> : vector<16x64xf32>
    %dot_general3A_221 = tpu.matmul %add3A_219, %convert_element_type3A_134, %dot_general3A_220 {dimension_numbers = #tpu.dot_dimension_numbers<[1], [0], [0], [1], [0, 0, 1, 1], [], []>, transpose_lhs_hint = false} : vector<16x64xf32>, vector<64x64xf32>, vector<16x64xf32> -> vector<16x64xf32>
    %slice3A_222 = vector.extract_strided_slice %dot_general3A_221 {offsets = [0, 63], sizes = [16, 1], strides = [1, 1]} : vector<16x64xf32> to vector<16x1xf32>
    %add3A_223 = arith.constant 9.99999997E-7 : f32
    %add3A_224 = vector.broadcast %add3A_223 : f32 to vector<16x1xf32>
    %add3A_225 = arith.addf %slice3A_222, %add3A_224 : vector<16x1xf32>
    %div3A_226 = vector.broadcast %add3A_225 : vector<16x1xf32> to vector<16x64xf32>
    %div3A_227 = arith.divf %dot_general3A_221, %div3A_226 : vector<16x64xf32>
    %iota3A_228 = tpu.iota {dimensions = array<i32: 1>} : vector<16x64xi32>
    %convert_element_type3A_229 = arith.sitofp %iota3A_228 : vector<16x64xi32> to vector<16x64xf32>
    %mul3A_230 = arith.constant 0.0158730168 : f32
    %mul3A_231 = vector.broadcast %mul3A_230 : f32 to vector<16x64xf32>
    %mul3A_232 = arith.mulf %convert_element_type3A_229, %mul3A_231 : vector<16x64xf32>
    %get3A_233 = arith.constant 0 : index
    %get3A_234 = arith.constant 0 : index
    %get3A_235 = memref.load %arg9[%get3A_233, %get3A_234] : memref<1x1xf32, #tpu.memory_space<smem>>
    %broadcast_in_dim3A_236 = vector.broadcast %get3A_235 : f32 to vector<16x64xf32>
    %neg3A_237 = arith.constant 0.000000e+00 : f32
    %neg3A_238 = vector.broadcast %neg3A_237 : f32 to vector<16x64xf32>
    %neg3A_239 = arith.subf %neg3A_238, %broadcast_in_dim3A_236 : vector<16x64xf32>
    %exp3A_240 = math.exp %neg3A_239 : vector<16x64xf32>
    %add3A_241 = arith.constant 1.000000e+00 : f32
    %add3A_242 = vector.broadcast %add3A_241 : f32 to vector<16x64xf32>
    %add3A_243 = arith.addf %add3A_242, %exp3A_240 : vector<16x64xf32>
    %div3A_244 = arith.constant 1.000000e+00 : f32
    %div3A_245 = vector.broadcast %div3A_244 : f32 to vector<16x64xf32>
    %div3A_246 = arith.divf %div3A_245, %add3A_243 : vector<16x64xf32>
    %add3A_247 = arith.addf %div3A_227, %mul3A_232 : vector<16x64xf32>
    %mul3A_248 = arith.mulf %div3A_246, %add3A_247 : vector<16x64xf32>
    %sub3A_249 = arith.constant 1.000000e+00 : f32
    %sub3A_250 = vector.broadcast %sub3A_249 : f32 to vector<16x64xf32>
    %sub3A_251 = arith.subf %sub3A_250, %div3A_246 : vector<16x64xf32>
    %mul3A_252 = arith.mulf %sub3A_251, %mul3A_232 : vector<16x64xf32>
    %add3A_253 = arith.addf %mul3A_248, %mul3A_252 : vector<16x64xf32>
    %broadcast_in_dim3A_254 = vector.shape_cast %add3A_253 : vector<16x64xf32> to vector<16x1x64xf32>
    %broadcast_in_dim3A_255 = vector.shape_cast %broadcast_in_dim3A_254 : vector<16x1x64xf32> to vector<16x1x64xf32>
    %broadcast_in_dim3A_256 = vector.broadcast %broadcast_in_dim3A_255 : vector<16x1x64xf32> to vector<16x6x64xf32>
    %reshape3A = vector.shape_cast %broadcast_in_dim3A_256 : vector<16x6x64xf32> to vector<96x64xf32>
    %broadcast_in_dim3A_257 = vector.shape_cast %reshape3A : vector<96x64xf32> to vector<1x96x64xf32>
    %broadcast_in_dim3A_258 = vector.shape_cast %broadcast_in_dim3A_257 : vector<1x96x64xf32> to vector<1x96x64xf32>
    %broadcast_in_dim3A_259 = vector.broadcast %broadcast_in_dim3A_258 : vector<1x96x64xf32> to vector<2x96x64xf32>
    %reshape3A_260 = vector.shape_cast %broadcast_in_dim3A_259 : vector<2x96x64xf32> to vector<192x64xf32>
    %mul3A_261 = vector.broadcast %sub3A : vector<192x1xf32> to vector<192x64xf32>
    %mul3A_262 = arith.mulf %reshape3A_260, %mul3A_261 : vector<192x64xf32>
    %add3A_263 = vector.broadcast %broadcast_in_dim3A : vector<192x1xf32> to vector<192x64xf32>
    %add3A_264 = arith.addf %mul3A_262, %add3A_263 : vector<192x64xf32>
    %swap3A = arith.constant 0 : index
    %swap3A_265 = arith.constant 0 : index
    %swap3A_266 = vector.load %arg10[%swap3A, %swap3A_265] : memref<192x64xf32, #tpu.memory_space<vmem>>, vector<192x64xf32>
    tpu.vector_store %arg10[%swap3A, %swap3A_265], %add3A_264 {strides = array<i32>} : memref<192x64xf32, #tpu.memory_space<vmem>>, vector<192x64xf32>,
    %slice3A_267 = vector.extract_strided_slice %add3A_264 {offsets = [0, 1], sizes = [192, 63], strides = [1, 1]} : vector<192x64xf32> to vector<192x63xf32>
    %slice3A_268 = vector.extract_strided_slice %add3A_264 {offsets = [0, 0], sizes = [192, 63], strides = [1, 1]} : vector<192x64xf32> to vector<192x63xf32>
    %sub3A_269 = arith.subf %slice3A_267, %slice3A_268 : vector<192x63xf32>
    %broadcast_in_dim3A_270 = arith.constant 0.000000e+00 : f32
    %broadcast_in_dim3A_271 = vector.broadcast %broadcast_in_dim3A_270 : f32 to vector<192x1xf32>
    %concatenate3A_272 = tpu.concatenate %sub3A_269, %broadcast_in_dim3A_271 in 1 : vector<192x63xf32>, vector<192x1xf32> -> vector<192x64xf32>
    %swap3A_273 = arith.constant 0 : index
    %swap3A_274 = arith.constant 0 : index
    %swap3A_275 = vector.load %arg11[%swap3A_273, %swap3A_274] : memref<192x64xf32, #tpu.memory_space<vmem>>, vector<192x64xf32>
    tpu.vector_store %arg11[%swap3A_273, %swap3A_274], %concatenate3A_272 {strides = array<i32>} : memref<192x64xf32, #tpu.memory_space<vmem>>, vector<192x64xf32>,
    %mul3A_276 = arith.constant 6.300000e+01 : f32
    %mul3A_277 = vector.broadcast %mul3A_276 : f32 to vector<192x1xf32>
    %mul3A_278 = arith.mulf %mul3A_277, %div3A_11 : vector<192x1xf32>
    %broadcast_in_dim3A_279 = vector.shape_cast %mul3A_278 : vector<192x1xf32> to vector<192x1xf32>
    %broadcast_in_dim3A_280 = vector.broadcast %broadcast_in_dim3A_279 : vector<192x1xf32> to vector<192x16xf32>
    %swap3A_281 = arith.constant 0 : index
    %swap3A_282 = arith.constant 0 : index
    %swap3A_283 = vector.load %arg12[%swap3A_281, %swap3A_282] : memref<192x16xf32, #tpu.memory_space<vmem>>, vector<192x16xf32>
    tpu.vector_store %arg12[%swap3A_281, %swap3A_282], %broadcast_in_dim3A_280 {strides = array<i32>} : memref<192x16xf32, #tpu.memory_space<vmem>>, vector<192x16xf32>,
    %mul3A_284 = arith.mulf %broadcast_in_dim3A, %mul3A_278 : vector<192x1xf32>
    %neg3A_285 = arith.constant 0.000000e+00 : f32
    %neg3A_286 = vector.broadcast %neg3A_285 : f32 to vector<192x1xf32>
    %neg3A_287 = arith.subf %neg3A_286, %mul3A_284 : vector<192x1xf32>
    %broadcast_in_dim3A_288 = vector.shape_cast %neg3A_287 : vector<192x1xf32> to vector<192x1xf32>
    %broadcast_in_dim3A_289 = vector.broadcast %broadcast_in_dim3A_288 : vector<192x1xf32> to vector<192x16xf32>
    %swap3A_290 = arith.constant 0 : index
    %swap3A_291 = arith.constant 0 : index
    %swap3A_292 = vector.load %arg13[%swap3A_290, %swap3A_291] : memref<192x16xf32, #tpu.memory_space<vmem>>, vector<192x16xf32>
    tpu.vector_store %arg13[%swap3A_290, %swap3A_291], %broadcast_in_dim3A_289 {strides = array<i32>} : memref<192x16xf32, #tpu.memory_space<vmem>>, vector<192x16xf32>,
    return
  }
}

</mosaic_0001>

<sc_bundles>
// kernel: kernel.5.cloned.1.call-start
scs
__scs_entry_jumppad:
0x0: {  	(pc) =	sbr.rel $0x88, $3  }
0x1: {  	(tag) =	ssettag $0x0;
	lr =	simm.s32 $0x1  }
0x2: {  	[smem:$0x3F99] =	sst lr;
	_ =	strace $0xD0000000  }
0x3: {  	_ = 	snop  }
0x4: {  	_ = 	snop  }
0x5: {  	_ = 	snop  }
0x6: {  	_ = 	snop  }
0x7: {  	_ = 	snop  }
__scs_overlays_trampoline_lowered:
0x8: {  	[smem:$0x3FA8] =	sst s0  }
0x9: {  	[smem:$0x3FA9] =	sst s1  }
0xa: {  	[smem:$0x3FAA] =	sst s2  }
0xb: {  	[smem:$0x3FAB] =	sst s3  }
0xc: {  	[smem:$0x3FAC] =	sst s4  }
0xd: {  	[smem:$0x3FAD] =	sst s5  }
0xe: {  	[smem:$0x3FAE] =	sst s6  }
0xf: {  	[smem:$0x3FAF] =	sst s7  }
0x10: {  	[smem:$0x3FB0] =	sst s8  }
0x11: {  	[smem:$0x3FB1] =	sst s9;
	s0 =	simm.s32 @!p0 $0x0  }
0x12: {  	s1 =	sld [smem:$0x3F97];
	s0 =	simm.s32 @p0 $0x1  }
0x13: {  	[smem:$0x3FB2] =	sst s0;
	s0 =	simm.s32 @!p1 $0x0  }
0x14: {  	s2 =	sld [smem:$0x3F96];
	s0 =	simm.s32 @p1 $0x1  }
0x15: {  	[smem:$0x3FB3] =	sst s0;
	s0 =	simm.s32 @!p2 $0x0  }
0x16: {  	s3 =	sld [smem:$0x3FDB];
	s0 =	simm.s32 @p2 $0x1  }
0x17: {  	s4 =	simm.s32 $0x1BF5;
	[smem:$0x3FB5] =	sst s0  }
0x18: {  	s0 =	sld [smem:$0x3F98];
	_ =	swait.ge [sflag:s4], $0x0  }
0x19: {  	s7 =	sld [smem:$0x3F99]  }
0x1a: {  	s8 =	sadd.s32 $0xFFFFE003, lr  }
0x1b: {  	s9 =	sadd.s32 $0xFFFFFEF7, lr;
	s5 =	simm.s32 $0xFFFFFFFF;
	p2 =	slt.u32 s8, $0xFFFFF086  }
0x1c: {  	p1 =	slt.u32 s9, $0xF7A;
	s5 =	simm.s32 @!p2 $0x0  }
0x1d: {  	s5 =	simm.s32 @p1 $0x1;
	p0 =	seq.s32 s7, s2  }
0x1e: {  	s7 =	smul.u32 @!p0 $0xF7A, s2;
	p2 =	seq.s32 @!p0 s5, $0x0  }
0x1f: {  	s9 =	smul.u32 $0xF7A, s1;
	s8 =	simm.s32 @!p0 $0x1BF5;
	p2 =	por !p2, p0  }
0x20: {  	[sflag:s8] =	ssyncset.s32 @!p0 $0xFFFFF086;
	s6 =	sadd.s32 @!p0 s3, s7;
	s7 =	simm.s32 @!p0 $0x108  }
0x21: {  	s3 =	sadd.s32 s3, s9;
	s6 =	sadd.s32 @!p0 $0x88, s6;
	s7 =	simm.s32 @p2 $0x1082  }
0x22: {  	[simem:s7], [sflag:s8] =	dma.local @!p0 [hbm:s6], $0xF7A  }
0x23: {  	s9 =	sor.u32 $0xD0000000, s2;
	s6 =	simm.s32 $0x108;
	_ =	swait.ge @!p0 [sflag:s8], $0x0  }
0x24: {  	s3 =	sadd.s32 $0x88, s3;
	s6 =	simm.s32 @!p1 $0x1082;
	[sflag:s4] =	ssyncset.s32 $0xFFFFF086  }
0x25: {  	[simem:s6], [sflag:s4] =	dma.local [hbm:s3], $0xF7A  }
0x26: {  	[smem:$0x3F99] =	sst s1;
	(tag) =	ssettag s2;
	_ =	strace s9  }
0x27: {  	s1 =	sld [smem:$0x3FA9]  }
0x28: {  	s2 =	sld [smem:$0x3FAA]  }
0x29: {  	s4 =	sld [smem:$0x3FAC]  }
0x2a: {  	p0 =	seq.s32 s5, $0x0;
	s5 =	sld [smem:$0x3FAD]  }
0x2b: {  	s6 =	sld [smem:$0x3FAE]  }
0x2c: {  	s7 =	sld [smem:$0x3FAF]  }
0x2d: {  	s3 =	simm.s32 $0x108;
	s8 =	sld [smem:$0x3FB0]  }
0x2e: {  	s3 =	simm.s32 @!p0 $0x1082;
	s9 =	sld [smem:$0x3FB1]  }
0x2f: {  	lr =	sadd.s32 s0, s3;
	s0 =	sld [smem:$0x3FA8]  }
0x30: {  	s3 =	sld [smem:$0x3FAB]  }
0x31: {  	[smem:$0x3FB4] =	sst s10  }
0x32: {  	s10 =	sld [smem:$0x3FB2];
	_ =	sdelay $0x3  }
0x33: {  	p0 =	seq.s32 s10, $0x1;
	s10 =	sld [smem:$0x3FB4];
	_ =	sdelay $0x3  }
0x34: {  	[smem:$0x3FB4] =	sst s10  }
0x35: {  	s10 =	sld [smem:$0x3FB3];
	_ =	sdelay $0x3  }
0x36: {  	p1 =	seq.s32 s10, $0x1;
	s10 =	sld [smem:$0x3FB4];
	_ =	sdelay $0x3  }
0x37: {  	[smem:$0x3FB4] =	sst s10  }
0x38: {  	s10 =	sld [smem:$0x3FB5]  }
0x39: {  	_ = 	snop;
	(pc) =	sbr.ind lr, $3  }
0x3a: {  	_ = 	snop  }
0x3b: {  	_ = 	snop  }
0x3c: {  	p2 =	seq.s32 s10, $0x1;
	s10 =	sld [smem:$0x3FB4]  }
0x3d: {  	_ =	shalt  }
0x3e: {  	_ =	shalt  }
0x3f: {  	_ =	shalt  }
0x40: {  	_ =	shalt  }
0x41: {  	_ =	shalt  }
0x42: {  	_ =	shalt  }
0x43: {  	_ =	shalt  }
0x44: {  	_ =	shalt  }
0x45: {  	_ =	shalt  }
0x46: {  	_ =	shalt  }
0x47: {  	_ =	shalt  }
0x48: {  	_ =	shalt  }
0x49: {  	_ =	shalt  }
0x4a: {  	_ =	shalt  }
0x4b: {  	_ =	shalt  }
0x4c: {  	_ =	shalt  }
0x4d: {  	_ =	shalt  }
0x4e: {  	_ =	shalt  }
0x4f: {  	_ =	shalt  }
0x50: {  	_ =	shalt  }
0x51: {  	_ =	shalt  }
0x52: {  	_ =	shalt  }
0x53: {  	_ =	shalt  }
0x54: {  	_ =	shalt  }
0x55: {  	_ =	shalt  }
0x56: {  	_ =	shalt  }
0x57: {  	_ =	shalt  }
0x58: {  	_ =	shalt  }
0x59: {  	_ =	shalt  }
0x5a: {  	_ =	shalt  }
0x5b: {  	_ =	shalt  }
0x5c: {  	_ =	shalt  }
0x5d: {  	_ =	shalt  }
0x5e: {  	_ =	shalt  }
0x5f: {  	_ =	shalt  }
0x60: {  	_ =	shalt  }
0x61: {  	_ =	shalt  }
0x62: {  	_ =	shalt  }
0x63: {  	_ =	shalt  }
0x64: {  	_ =	shalt  }
0x65: {  	_ =	shalt  }
0x66: {  	_ =	shalt  }
0x67: {  	_ =	shalt  }
0x68: {  	_ =	shalt  }
0x69: {  	_ =	shalt  }
0x6a: {  	_ =	shalt  }
0x6b: {  	_ =	shalt  }
0x6c: {  	_ =	shalt  }
0x6d: {  	_ =	shalt  }
0x6e: {  	_ =	shalt  }
0x6f: {  	_ =	shalt  }
0x70: {  	_ =	shalt  }
0x71: {  	_ =	shalt  }
0x72: {  	_ =	shalt  }
0x73: {  	_ =	shalt  }
0x74: {  	_ =	shalt  }
0x75: {  	_ =	shalt  }
0x76: {  	_ =	shalt  }
0x77: {  	_ =	shalt  }
0x78: {  	_ =	shalt  }
0x79: {  	_ =	shalt  }
0x7a: {  	_ =	shalt  }
0x7b: {  	_ =	shalt  }
0x7c: {  	_ =	shalt  }
0x7d: {  	_ =	shalt  }
0x7e: {  	_ =	shalt  }
0x7f: {  	_ =	shalt  }
0x80: {  	_ =	shalt  }
0x81: {  	_ =	shalt  }
0x82: {  	_ =	shalt  }
0x83: {  	_ =	shalt  }
0x84: {  	_ =	shalt  }
0x85: {  	_ =	shalt  }
0x86: {  	_ =	shalt  }
0x87: {  	_ =	shalt  }
.Lfunc_end0:
.L_simem_size_0:
called_computation_lowered:
.L_overlay_start_0:
0x88: {  	s2 =	sld [smem:$0x3FD9]  }
0x89: {  	s3 =	sld [smem:$0x3FFE];
	_ =	sdelay $0x1  }
0x8a: {  	s1 =	srdreg.scid  }
0x8b: {  	s0 =	sand.u32 $0x1, s1  }
0x8c: {  	s17 =	sshll.u32 s0, $0xA;
	s2 =	sadd.s32 s3, s2  }
0x8d: {  	s2 =	sadd.s32 s2, s17  }
0x8e: {  	[smem:$0x3FC0] =	sst s2  }
0x8f: {  	_ = 	snop  }
0x90: {  	s2 =	sld [smem:$0x3FC9]  }
0x91: {  	s18 =	sld [smem:$0x3FD0];
	(tm) =	ssettm $0x1  }
0x92: {  	s4 =	sld [smem:$0x3FFB];
	_ =	sdelay $0x3  }
0x93: {  	_ =	strace s4  }
0x94: {  	s4 =	sld [smem:$0x3FFC];
	_ =	sdelay $0x3  }
0x95: {  	_ =	strace s4  }
0x96: {  	s4 =	sld [smem:$0x3FFD];
	_ =	sdelay $0x3  }
0x97: {  	_ =	strace s4  }
0x98: {  	_ =	strace $0x8FFFFFFF  }
0x99: {  	s19 =	sld [smem:$0x3FDB];
	_ =	sdelay $0x1  }
0x9a: {  	s5 =	simm.s32 $_scs_section_size  }
0x9b: {  	s6 =	simm.s32 $_size__tile_overlayer_lowered;
	s7 =	simm.s32 $_tile_overlayer_lowered  }
0x9c: {  	s22 =	simm.s32 $0x1BFF;
	s21 =	sshll.u32 s7, $0x1;
	s4 =	sadd.s32 s5, s19  }
0x9d: {  	s8 =	simm.s32 $0x0;
	s20 =	sshll.u32 s6, $0x1;
	s6 =	sadd.s32 s21, s4  }
0x9e: {  	[timem:s8], [sflag:s22] =	dma.local [hbm:s6], s20  }
0x9f: {  	_ =	swait.ge [sflag:s22], s20  }
0xa0: {  	s5 =	ssub.s32 $0x0, s20;
	[sflag:s22] =	ssyncset.done $0x0  }
0xa1: {  	[sflag:s22] =	ssyncadd.s32 s5;
	_ =	sdelay $0x1  }
0xa2: {  	s23 =	simm.s32 $0x1B8B  }
0xa3: {  	_ =	swait.ge [sflag:s23], $0x1  }
0xa4: {  	[sflag:s23] =	ssyncset.done $0x0  }
0xa5: {  	s25 =	simm.s32 $0x1B8E;
	s24 =	sld [smem:$0x3FFE];
	[sflag:s23] =	ssyncadd.s32 $0xFFFFFFFF  }
0xa6: {  	s26 =	simm.s32 $execute0_lowered;
	[smem:$0x3FD2] =	sst s25  }
0xa7: {  	s6 =	sshll.u32 s26, $0x1;
	_ =	strace $0x80000046;
	[dreg:$0x1] =	wrdreg $0xFFFFFFFF  }
0xa8: {  	s28 =	simm.s32 $_size_execute0_lowered;
	s4 =	sadd.s32 s4, s6;
	[dreg:$0x0] =	wrdreg $0x0  }
0xa9: {  	s6 =	sshll.u32 s28, $0x1;
	[dreg:$0x2] =	wrdreg s4  }
0xaa: {  	[dreg:$0x3] =	wrdreg s6  }
0xab: {  	[dreg:$0x4] =	wrdreg $0xC0  }
0xac: {  	_ =	task [dreg:s8], $0x5FFFF  }
0xad: {  	[dreg:$0x1] =	wrdreg $0xFFFFFFFF  }
0xae: {  	[dreg:$0x0] =	wrdreg $0x60  }
0xaf: {  	[dreg:$0x2] =	wrdreg s2  }
0xb0: {  	[dreg:$0x3] =	wrdreg s24  }
0xb1: {  	[dreg:$0x4] =	wrdreg s18  }
0xb2: {  	[dreg:$0x5] =	wrdreg $0x9  }
0xb3: {  	_ =	task.clear_ibuf [dreg:s8], $0x6FFFF;
	_ =	strace $0x90000046  }
0xb4: {  	s29 =	simm.s32 $0x9;
	_ =	strace $0x80000048  }
0xb5: {  	_ =	swait.ge [sflag:s29], $0x1  }
0xb6: {  	[sflag:s29] =	ssyncadd.s32 $0xFFFFFFFF  }
0xb7: {  	_ =	strace $0x90000048  }
0xb8: {  	_ =	sfence  }
0xb9: {  	s30 =	sld [smem:$0x0];
	_ =	sdelay $0x2  }
0xba: {  	s31 =	sshll.u32 s1, $0xD;
	s1 =	sshrl.u32 s1, $0x2  }
0xbb: {  	s3 =	sand.u32 $0x4000, s31;
	s1 =	sadd.s32 s1, s30  }
0xbc: {  	s0 =	sor.u32 s3, s0;
	s1 =	sshll.u32 s1, $0x11  }
0xbd: {  	s0 =	sor.u32 s1, s0  }
0xbe: {  	s0 =	sadd.s32 $0x8F2B, s0  }
0xbf: {  	[sflag:s0] =	ssyncadd.remote.s32 $0x1  }
0xc0: {  	_ =	sfence.sel $0xFFFF  }
0xc1: {  	[dreg:$0x0] =	wrdreg $0xFFFFFFFF;
	(pc) =	sbr.abs _section_cstart, $3  }
0xc2: {  	[dreg:$0x1] =	wrdreg $0xFFFFFFFF  }
0xc3: {  	_ =	task.clear_ibuf [dreg:s8], $0x2FFFF;
	_ =	strace $0x9FFFFFFF  }
0xc4: {  	(tm) =	ssettm $0x7FFFFFFF  }
0xc5: {  	_ =	shalt  }
tec
execute0_lowered:
.L_overlay_start_1:
0x0: {  	(tag) =	ssettag $0x1  }
0x1: {  	s1 =	rddreg [dreg:$0x0]  }
0x2: {  	s0 =	rddreg [dreg:$0x1]  }
0x3: {  	s2 =	srdreg.scid;
	s4 =	stileid.u32  }
0x4: {  	s3 =	rddreg [dreg:$0x2];
	s13 =	simm.s32 $0x7;
	s17 =	simm.s32 $0x400  }
0x5: {  	s18 =	simm.s32 $0x8400;
	s19 =	simm.s32 $0x1;
	s20 =	simm.s32 $0x10400  }
0x6: {  	s21 =	simm.s32 $0x2;
	s2 =	sand.u32 $0x1, s2;
	s5 =	sshll.u32 s4, $0x1  }
0x7: {  	s22 =	simm.s32 $0x3;
	s4 =	simm.s32 $0x0;
	s5 =	sor.u32 s2, s5  }
0x8: {  	[smem:$0x7FF] =	sst s4;
	s2 =	ssub.s32 $0x2, s2;
	s9 =	smul.u32 $0x30000, s5  }
0x9: {  	s6 =	smul.u32 $0x30, s5;
	_ =	strace $0x80000047;
	s8 =	sshrl.u32 s2, $0x1  }
0xa: {  	s7 =	smul.u32 $0xC, s5;
	s2 =	ssub.s32 s2, s8;
	s28 =	sadd.s32 s1, s9  }
0xb: {  	s6 =	sadd.s32 s6, s0;
	s31 =	smax.u32 s2, $0x1;
	[dreg:$0x6] =	wrdreg s28  }
0xc: {  	s0 =	sadd.s32 s7, s0;
	s26 =	sadd.s32 $0xA00, s6;
	[dreg:$0xa] =	wrdreg s31  }
.Ltmp0:
0xd: {  	s6 =	sadd.s32 $0x1400, s6;
	[dreg:$0x4] =	wrdreg s26;
	(pc) =	sbr.rel .LBB2_1-.Ltmp0, $4  }
0xe: {  	s23 =	simm.s32 $0x4;
	s29 =	sadd.s32 $0x1000, s0;
	[dreg:$0x5] =	wrdreg s6  }
0xf: {  	s24 =	simm.s32 $0x5;
	s0 =	sadd.s32 $0x1200, s0;
	[dreg:$0x7] =	wrdreg s29  }
0x10: {  	s25 =	simm.s32 $0x6;
	s30 =	sadd.s32 $0x1000, s28;
	[dreg:$0x8] =	wrdreg s0  }
0x11: {  	s5 =	smul.u32 $0x6, s5;
	[dreg:$0x9] =	wrdreg s30;
	s26 =	simm.s32 $0x0  }
.LBB2_10:
0x12: {  	_ =	swait.ge [sflag:s23], $0x8000  }
0x13: {  	[sflag:s23] =	ssyncset.done $0x0  }
0x14: {  	[sflag:s23] =	ssyncadd.s32 $0xFFFF8000  }
0x15: {  	_ =	swait.ge [sflag:s24], $0x8000  }
0x16: {  	[sflag:s24] =	ssyncset.done $0x0  }
0x17: {  	[sflag:s24] =	ssyncadd.s32 $0xFFFF8000  }
0x18: {  	_ =	swait.ge [sflag:s25], $0x8000  }
0x19: {  	s26 =	sadd.s32 $0x1, s26;
	s0 =	rddreg [dreg:$0xa]  }
0x1a: {  	p0 =	sne.s32 s26, s0  }
.Ltmp1:
0x1b: {  	_ = 	snop;
	(pc) =	sbr.rel @!p0 .LBB2_11-.Ltmp1, $3  }
0x1c: {  	_ =	sdelay $0x1  }
0x1d: {  	[sflag:s25] =	ssyncset.done $0x0  }
0x1e: {  	[sflag:s25] =	ssyncadd.s32 $0xFFFF8000  }
.LBB2_1:
0x1f: {  	s0 =	rddreg [dreg:$0x4]  }
0x20: {  	[tilespmem:s4], [sflag:$0x7] =	stream.linear.gather [hbm4b:s0+s4], $0x180, $0x38;
	[tilespmem:$0x18400] =	vst v63  }
0x21: {  	_ =	swait.ge [sflag:s13], $0x180  }
0x22: {  	[sflag:s13] =	ssyncset.done $0x0  }
0x23: {  	s2 =	simm.s32 $0x180;
	s12 =	rddreg [dreg:$0x5];
	[sflag:s13] =	ssyncadd.s32 $0xFFFFFE80  }
0x24: {  	[tilespmem:s2], [sflag:$0x7] =	stream.linear.gather [hbm4b:s12+s4], $0x180, $0x38;
	[tilespmem:$0x18400] =	vst v63  }
0x25: {  	_ =	swait.ge [sflag:s13], $0x180  }
0x26: {  	[sflag:s13] =	ssyncset.done $0x0  }
0x27: {  	s15 =	simm.s32 $0x300;
	s14 =	rddreg [dreg:$0x7];
	[sflag:s13] =	ssyncadd.s32 $0xFFFFFE80  }
0x28: {  	[tilespmem:s15], [sflag:$0x7] =	stream.linear.gather [hbm4b:s14+s4], $0x60, $0x38;
	[tilespmem:$0x18400] =	vst v63  }
0x29: {  	_ =	swait.ge [sflag:s13], $0x60  }
0x2a: {  	[sflag:s13] =	ssyncset.done $0x0  }
0x2b: {  	s29 =	simm.s32 $0x380;
	s16 =	rddreg [dreg:$0x8];
	[sflag:s13] =	ssyncadd.s32 $0xFFFFFFA0  }
0x2c: {  	[tilespmem:s29], [sflag:$0x7] =	stream.linear.gather [hbm4b:s16+s4], $0x60, $0x38;
	[tilespmem:$0x18400] =	vst v63  }
0x2d: {  	_ =	swait.ge [sflag:s13], $0x60  }
0x2e: {  	[sflag:s13] =	ssyncset.done $0x0  }
0x2f: {  	s30 =	rddreg [dreg:$0x6];
	[sflag:s13] =	ssyncadd.s32 $0xFFFFFFA0  }
0x30: {  	[tilespmem:s17], [sflag:$0x1] =	stream.linear.gather [hbm4b:s30+s4], $0x8000, $0x38;
	[tilespmem:$0x18400] =	vst v63  }
0x31: {  	s28 =	simm.s32 $0x0;
	s31 =	rddreg [dreg:$0x9]  }
0x32: {  	[tilespmem:s18], [sflag:$0x2] =	stream.linear.gather [hbm4b:s31+s4], $0x8000, $0x38;
	[tilespmem:$0x18400] =	vst v63  }
.LBB2_2:
0x33: {  	s29 =	smul.u32 $0x3, s28;
	_ =	swait.ge [sflag:s19], $0x8000;
	s6 =	simm.s32 $0x0  }
0x34: {  	s2 =	simm.s32 $0x0;
	[sflag:s19] =	ssyncset.done $0x0;
	s6 =	sand.u32 $0x7000, s6  }
0x35: {  	s7 =	sand.u32 $0xC00, s2;
	s2 =	sand.u32 $0x380, s2;
	s0 =	sshrl.u32 s29, $0x3  }
0x36: {  	[sflag:s19] =	ssyncadd.s32 $0xFFFF8000;
	s6 =	sor.u32 s7, s6;
	s9 =	sshll.u32 s0, $0x4  }
0x37: {  	s2 =	sor.u32 s2, s6;
	v0 =	vld [tilespmem:s9+$0x300]  }
0x38: {  	v2 =	vld [tilespmem:s2+$0x470]  }
0x39: {  	v1 =	vld [tilespmem:s9+$0x380]  }
0x3a: {  	v3 =	vld [tilespmem:s2+$0x400]  }
0x3b: {  	v4 =	vld [tilespmem:s2+$0x410]  }
0x3c: {  	v5 =	vld [tilespmem:s2+$0x420]  }
0x3d: {  	v6 =	vld [tilespmem:s2+$0x430]  }
0x3e: {  	v7 =	vld [tilespmem:s2+$0x440]  }
0x3f: {  	v9 =	vld [tilespmem:s2+$0x450];
	_ =	sdelay $0x1  }
0x40: {  	v10 =	vld [tilespmem:s2+$0x460];
	v2 =	vmul.f32 v2, v0  }
0x41: {  	v3 =	vmul.f32 v3, v0;
	v4 =	vmul.f32 v4, v0  }
0x42: {  	v5 =	vmul.f32 v5, v0;
	v6 =	vmul.f32 v6, v0;
	v2 =	vadd.f32 v2, v1  }
0x43: {  	v7 =	vmul.f32 v7, v0;
	v9 =	vmul.f32 v9, v0  }
0x44: {  	v3 =	vadd.f32 v3, v1;
	v4 =	vadd.f32 v4, v1;
	v8 =	vtrunc.f32 v2  }
0x45: {  	s7 =	simm.s32 $0x400;
	s6 =	simm.s32 $0x80;
	v10 =	vmul.f32 v10, v0;
	v5 =	vadd.f32 v5, v1;
	v8 =	vcvt.f32.s32 v8  }
0x46: {  	s15 =	sand.u32 $0xC00, s7;
	s10 =	sand.u32 $0x7000, s6;
	s9 =	simm.s32 $0x20;
	v6 =	vadd.f32 v6, v1;
	v11 =	vtrunc.f32 v3;
	v12 =	vtrunc.f32 v4  }
0x47: {  	s30 =	sand.u32 $0x380, s9;
	s10 =	sor.u32 s15, s10;
	v26 =	vadd.f32 v10, v1;
	v13 =	vtrunc.f32 v5;
	v11 =	vcvt.f32.s32 v11  }
0x48: {  	s15 =	sor.u32 s30, s10;
	v14 =	vtrunc.f32 v6;
	v12 =	vcvt.f32.s32 v12  }
0x49: {  	s14 =	sshll.u32 s0, $0x6;
	v25 =	vld [tilespmem:s15+$0x410];
	v19 =	vtrunc.f32 v26;
	v16 =	vcvt.f32.s32 v13  }
0x4a: {  	s16 =	sadd.s32 $0x180, s14;
	v24 =	vcvt.f32.s32 v14;
	v34 =	vcvt.f32.s32 v19;
	v19 =	vld [tilespmem:s15+$0x470]  }
0x4b: {  	v7 =	vadd.f32 v7, v1;
	v13 =	vld.idx.msk [tilespmem:v8+s16+$0x0], $0xffff  }
0x4c: {  	v9 =	vadd.f32 v9, v1;
	v14 =	vld.idx.msk [tilespmem:v8+s14+$0x0], $0xffff  }
0x4d: {  	v15 =	vtrunc.f32 v7;
	v10 =	vld.idx.msk [tilespmem:v11+s16+$0x0], $0xffff  }
0x4e: {  	v17 =	vtrunc.f32 v9;
	v20 =	vcvt.s32.f32 v11;
	v18 =	vld.idx.msk [tilespmem:v12+s16+$0x0], $0xffff  }
0x4f: {  	v27 =	vcvt.f32.s32 v15;
	v15 =	vld.idx.msk [tilespmem:v16+s16+$0x0], $0xffff;
	v8 =	vcvt.s32.f32 v8  }
0x50: {  	v29 =	vcvt.f32.s32 v17;
	v3 =	vsub.f32 v3, v20;
	v20 =	vcvt.s32.f32 v24;
	v17 =	vld.idx.msk [tilespmem:v24+s16+$0x0], $0xffff  }
0x51: {  	v21 =	vcvt.s32.f32 v12;
	v22 =	vcvt.s32.f32 v16;
	v2 =	vsub.f32 v2, v8;
	v8 =	vld [tilespmem:s15+$0x400]  }
0x52: {  	v23 =	vcvt.s32.f32 v27;
	v28 =	vcvt.s32.f32 v29;
	v6 =	vsub.f32 v6, v20;
	v20 =	vld [tilespmem:s15+$0x430]  }
0x53: {  	v30 =	vld [tilespmem:s15+$0x420];
	v4 =	vsub.f32 v4, v21;
	v5 =	vsub.f32 v5, v22;
	v13 =	vmul.f32 v2, v13  }
0x54: {  	v2 =	vsub.f32 v7, v23;
	v7 =	vmul.f32 v3, v10;
	v3 =	vmul.f32 v19, v0  }
0x55: {  	v10 =	vld [tilespmem:s15+$0x440];
	v36 =	vmul.f32 v5, v15;
	v5 =	vmul.f32 v25, v0  }
0x56: {  	v35 =	vmul.f32 v4, v18;
	v4 =	vmul.f32 v8, v0;
	v8 =	vld [tilespmem:s15+$0x450];
	v23 =	vadd.f32 v3, v1  }
0x57: {  	v33 =	vld.idx.msk [tilespmem:v11+s14+$0x0], $0xffff;
	v3 =	vmul.f32 v6, v17;
	v18 =	vadd.f32 v5, v1;
	v5 =	vmul.f32 v20, v0  }
0x58: {  	v22 =	vld [tilespmem:s15+$0x460];
	v21 =	vadd.f32 v4, v1;
	v4 =	vmul.f32 v30, v0;
	v6 =	vtrunc.f32 v23  }
0x59: {  	v31 =	vcvt.s32.f32 v34;
	v37 =	vld.idx.msk [tilespmem:v12+s14+$0x0], $0xffff;
	v19 =	vadd.f32 v5, v1;
	v30 =	vcvt.f32.s32 v6  }
0x5a: {  	v39 =	vld.idx.msk [tilespmem:v16+s14+$0x0], $0xffff;
	v17 =	vadd.f32 v4, v1;
	v4 =	vmul.f32 v10, v0;
	v6 =	vtrunc.f32 v21  }
0x5b: {  	v15 =	vld.idx.msk [tilespmem:v29+s16+$0x0], $0xffff;
	v32 =	vadd.f32 v13, v14;
	v38 =	vtrunc.f32 v19;
	v5 =	vmul.f32 v8, v0  }
0x5c: {  	v25 =	vld.idx.msk [tilespmem:v24+s14+$0x0], $0xffff;
	v40 =	vadd.f32 v7, v33;
	v8 =	vtrunc.f32 v18;
	v10 =	vcvt.f32.s32 v6  }
0x5d: {  	v24 =	vld.idx.msk [tilespmem:v27+s14+$0x0], $0xffff;
	v6 =	vsub.f32 v9, v28;
	v9 =	vcvt.f32.s32 v38;
	v33 =	vcvt.s32.f32 v30  }
0x5e: {  	v14 =	vld.idx.msk [tilespmem:v27+s16+$0x0], $0xffff;
	v20 =	vadd.f32 v4, v1;
	v4 =	vmul.f32 v22, v0;
	v11 =	vtrunc.f32 v17  }
0x5f: {  	v13 =	vld.idx.msk [tilespmem:v34+s16+$0x0], $0xffff;
	v12 =	vcvt.f32.s32 v8;
	v8 =	vsub.f32 v26, v31;
	v22 =	vadd.f32 v5, v1  }
0x60: {  	[tilespmem:s2+$0x470] =	vst v32;
	v26 =	vld.idx.msk [tilespmem:v29+s14+$0x0], $0xffff;
	v11 =	vcvt.f32.s32 v11;
	v32 =	vcvt.s32.f32 v10;
	v16 =	vadd.f32 v4, v1  }
0x61: {  	v5 =	vtrunc.f32 v20;
	v4 =	vtrunc.f32 v22;
	v28 =	vld.idx.msk [tilespmem:v30+s16+$0x0], $0xffff  }
0x62: {  	v31 =	vadd.f32 v35, v37;
	v7 =	vcvt.f32.s32 v5;
	v29 =	vld.idx.msk [tilespmem:v30+s14+$0x0], $0xffff;
	v27 =	vtrunc.f32 v16  }
0x63: {  	[tilespmem:s2+$0x400] =	vst v40;
	v30 =	vadd.f32 v36, v39;
	v4 =	vcvt.f32.s32 v4;
	v5 =	vcvt.f32.s32 v27;
	v27 =	vld.idx.msk [tilespmem:v34+s14+$0x0], $0xffff  }
.LBB2_3:
0x64: {  	s6 =	sadd.s32 $0x80, s6;
	v34 =	vld.idx.msk [tilespmem:v10+s16+$0x0], $0xffff;
	v35 =	vcvt.s32.f32 v12;
	v36 =	vcvt.s32.f32 v11;
	v23 =	vsub.f32 v23, v33;
	s7 =	sadd.s32 $0x400, s7;
	[tilespmem:s2+$0x410] =	vst v31  }
0x65: {  	v33 =	vcvt.s32.f32 v7;
	s9 =	sadd.s32 $0x20, s9;
	s10 =	sand.u32 $0x7000, s6;
	s30 =	sand.u32 $0xC00, s7;
	v21 =	vsub.f32 v21, v32;
	v31 =	vld.idx.msk [tilespmem:v12+s16+$0x0], $0xffff;
	v32 =	vcvt.s32.f32 v9;
	[tilespmem:s2+$0x420] =	vst v30  }
0x66: {  	s31 =	sand.u32 $0x380, s9;
	p0 =	slt.u32 s6, $0x7F80;
	s10 =	sor.u32 s30, s10;
	v18 =	vsub.f32 v18, v35;
	v30 =	vld.idx.msk [tilespmem:v11+s16+$0x0], $0xffff;
	v35 =	vcvt.s32.f32 v4;
	v23 =	vmul.f32 v23, v28  }
0x67: {  	v17 =	vsub.f32 v17, v36;
	s10 =	sor.u32 s31, s10;
	v19 =	vsub.f32 v19, v32;
	v28 =	vld.idx.msk [tilespmem:v9+s16+$0x0], $0xffff;
	v32 =	vcvt.s32.f32 v5  }
0x68: {  	v14 =	vmul.f32 v2, v14;
	v2 =	vsub.f32 v20, v33;
	v36 =	vld [tilespmem:s10+$0x470];
	v23 =	vadd.f32 v23, v29  }
0x69: {  	v15 =	vmul.f32 v6, v15;
	v6 =	vsub.f32 v22, v35;
	v20 =	vld [tilespmem:s10+$0x400];
	v16 =	vsub.f32 v16, v32  }
0x6a: {  	v3 =	vadd.f32 v3, v25;
	v13 =	vmul.f32 v8, v13;
	v29 =	vmul.f32 v21, v34;
	v22 =	vld [tilespmem:s10+$0x410];
	[tilespmem:s15+$0x470] =	vst v23  }
0x6b: {  	v14 =	vadd.f32 v14, v24;
	v15 =	vadd.f32 v15, v26;
	v31 =	vmul.f32 v18, v31;
	v25 =	vld [tilespmem:s10+$0x420];
	v8 =	vmovc v16  }
0x6c: {  	v13 =	vadd.f32 v13, v27;
	v30 =	vmul.f32 v17, v30;
	v16 =	vld [tilespmem:s10+$0x430];
	[tilespmem:s2+$0x430] =	vst v3  }
0x6d: {  	v3 =	vmul.f32 v19, v28;
	v24 =	vld [tilespmem:s10+$0x440];
	v17 =	vmul.f32 v36, v0;
	[tilespmem:s2+$0x440] =	vst v14  }
0x6e: {  	v14 =	vmul.f32 v20, v0;
	v20 =	vld [tilespmem:s10+$0x450];
	[tilespmem:s2+$0x450] =	vst v15  }
0x6f: {  	v15 =	vmul.f32 v22, v0;
	v22 =	vld [tilespmem:s10+$0x460];
	v23 =	vadd.f32 v17, v1;
	[tilespmem:s2+$0x460] =	vst v13;
	s2 =	smov.u32 s15;
	s15 =	smov.u32 s10  }
0x70: {  	v21 =	vadd.f32 v14, v1;
	v13 =	vmul.f32 v25, v0;
	v14 =	vld.idx.msk [tilespmem:v7+s16+$0x0], $0xffff  }
0x71: {  	v18 =	vadd.f32 v15, v1;
	v16 =	vmul.f32 v16, v0;
	v19 =	vtrunc.f32 v23;
	v15 =	vld.idx.msk [tilespmem:v4+s16+$0x0], $0xffff  }
0x72: {  	v17 =	vadd.f32 v13, v1;
	v24 =	vmul.f32 v24, v0;
	v27 =	vcvt.f32.s32 v19;
	v13 =	vld.idx.msk [tilespmem:v5+s16+$0x0], $0xffff  }
0x73: {  	v25 =	vtrunc.f32 v21;
	v19 =	vadd.f32 v16, v1;
	v16 =	vmul.f32 v20, v0;
	v26 =	vld.idx.msk [tilespmem:v10+s14+$0x0], $0xffff  }
0x74: {  	v28 =	vtrunc.f32 v18;
	v20 =	vadd.f32 v24, v1;
	v24 =	vmul.f32 v22, v0;
	v32 =	vld.idx.msk [tilespmem:v12+s14+$0x0], $0xffff  }
0x75: {  	v33 =	vtrunc.f32 v17;
	v34 =	vtrunc.f32 v19;
	v22 =	vadd.f32 v16, v1;
	v35 =	vld.idx.msk [tilespmem:v11+s14+$0x0], $0xffff  }
0x76: {  	v10 =	vcvt.f32.s32 v25;
	v36 =	vtrunc.f32 v20;
	v16 =	vadd.f32 v24, v1;
	v25 =	vld.idx.msk [tilespmem:v9+s14+$0x0], $0xffff  }
.Ltmp2:
0x77: {  	v12 =	vcvt.f32.s32 v28;
	v37 =	vtrunc.f32 v22;
	v24 =	vld.idx.msk [tilespmem:v7+s14+$0x0], $0xffff;
	(pc) =	sbr.rel @p0 .LBB2_3-.Ltmp2, $4  }
0x78: {  	v11 =	vcvt.f32.s32 v33;
	v38 =	vtrunc.f32 v16;
	v28 =	vld.idx.msk [tilespmem:v27+s16+$0x0], $0xffff  }
0x79: {  	v9 =	vcvt.f32.s32 v34;
	v7 =	vcvt.f32.s32 v36;
	v34 =	vadd.f32 v29, v26;
	v26 =	vld.idx.msk [tilespmem:v4+s14+$0x0], $0xffff  }
0x7a: {  	v33 =	vcvt.s32.f32 v27;
	v4 =	vcvt.f32.s32 v37;
	v31 =	vadd.f32 v31, v32;
	v29 =	vld.idx.msk [tilespmem:v27+s14+$0x0], $0xffff  }
0x7b: {  	v32 =	vcvt.s32.f32 v10;
	v30 =	vadd.f32 v30, v35;
	[tilespmem:s2+$0x400] =	vst v34;
	v27 =	vld.idx.msk [tilespmem:v5+s14+$0x0], $0xffff;
	v5 =	vcvt.f32.s32 v38  }
0x7c: {  	_ =	sdelay $0x3  }
0x7d: {  	v0 =	vld.idx.msk [tilespmem:v10+s16+$0x0], $0xffff  }
0x7e: {  	v1 =	vld.idx.msk [tilespmem:v12+s16+$0x0], $0xffff  }
0x7f: {  	v34 =	vld.idx.msk [tilespmem:v11+s16+$0x0], $0xffff  }
0x80: {  	v55 =	vld.idx.msk [tilespmem:v9+s16+$0x0], $0xffff  }
0x81: {  	v35 =	vcvt.s32.f32 v12;
	v36 =	vcvt.s32.f32 v11;
	v37 =	vld.idx.msk [tilespmem:v7+s16+$0x0], $0xffff  }
0x82: {  	v56 =	vcvt.s32.f32 v9;
	[tilespmem:s2+$0x410] =	vst v31;
	v31 =	vcvt.s32.f32 v7;
	v10 =	vld.idx.msk [tilespmem:v10+s14+$0x0], $0xffff  }
0x83: {  	v23 =	vsub.f32 v23, v33;
	v2 =	vmul.f32 v2, v14;
	v6 =	vmul.f32 v6, v15;
	v12 =	vld.idx.msk [tilespmem:v12+s14+$0x0], $0xffff  }
0x84: {  	v3 =	vadd.f32 v3, v25;
	v8 =	vmul.f32 v8, v13;
	v11 =	vld.idx.msk [tilespmem:v11+s14+$0x0], $0xffff;
	v21 =	vsub.f32 v21, v32  }
0x85: {  	[tilespmem:s2+$0x420] =	vst v30;
	v30 =	vcvt.s32.f32 v4;
	v57 =	vld.idx.msk [tilespmem:v5+s16+$0x0], $0xffff;
	v18 =	vsub.f32 v18, v35;
	v17 =	vsub.f32 v17, v36  }
0x86: {  	v23 =	vmul.f32 v23, v28;
	v28 =	vld.idx.msk [tilespmem:v4+s16+$0x0], $0xffff;
	v19 =	vsub.f32 v19, v56;
	v2 =	vadd.f32 v2, v24  }
0x87: {  	v20 =	vsub.f32 v20, v31;
	v6 =	vadd.f32 v6, v26;
	[tilespmem:s2+$0x430] =	vst v3;
	v3 =	vld.idx.msk [tilespmem:v9+s14+$0x0], $0xffff  }
0x88: {  	v14 =	vsub.f32 v22, v30;
	v23 =	vadd.f32 v23, v29;
	[tilespmem:s2+$0x440] =	vst v2;
	v0 =	vmul.f32 v21, v0  }
0x89: {  	v8 =	vadd.f32 v8, v27;
	v2 =	vld.idx.msk [tilespmem:v7+s14+$0x0], $0xffff;
	[tilespmem:s2+$0x450] =	vst v6;
	v1 =	vmul.f32 v18, v1  }
0x8a: {  	v4 =	vld.idx.msk [tilespmem:v4+s14+$0x0], $0xffff;
	v7 =	vcvt.s32.f32 v5;
	v9 =	vmul.f32 v17, v34;
	[tilespmem:s15+$0x470] =	vst v23;
	v0 =	vadd.f32 v0, v10  }
0x8b: {  	v5 =	vld.idx.msk [tilespmem:v5+s14+$0x0], $0xffff;
	v6 =	vmul.f32 v19, v55;
	[tilespmem:s2+$0x460] =	vst v8;
	v1 =	vadd.f32 v1, v12  }
0x8c: {  	v7 =	vsub.f32 v16, v7;
	v8 =	vmul.f32 v20, v37;
	[tilespmem:s15+$0x400] =	vst v0;
	v0 =	vadd.f32 v9, v11  }
0x8d: {  	s14 =	smul.u32 $0x18000, s28;
	v3 =	vadd.f32 v6, v3;
	[tilespmem:s15+$0x410] =	vst v1;
	v1 =	vmul.f32 v14, v28  }
0x8e: {  	s0 =	sadd.s32 s5, s0;
	v2 =	vadd.f32 v8, v2;
	[tilespmem:s15+$0x420] =	vst v0;
	v0 =	vmul.f32 v7, v57  }
0x8f: {  	s0 =	sshll.u32 s0, $0x12;
	s2 =	sand.u32 $0x38000, s14;
	[tilespmem:s15+$0x430] =	vst v3;
	v1 =	vadd.f32 v1, v4  }
0x90: {  	s0 =	sor.u32 s2, s0;
	[tilespmem:s15+$0x440] =	vst v2;
	v0 =	vadd.f32 v0, v5  }
0x91: {  	s0 =	sshrl.u32 s0, $0x3;
	[tilespmem:s15+$0x450] =	vst v1  }
0x92: {  	s0 =	sadd.s32 s3, s0;
	[tilespmem:s15+$0x460] =	vst v0;
	s15 =	sadd.s32 $0x2, s29  }
0x93: {  	[hbm4b:s0+s4] =	stream.linear.scatter [tilespmem:s17], [sflag:$0x4], $0x8000, $0x38;
	[tilespmem:$0x18400] =	vst v63  }
0x94: {  	p0 =	seq.s32 s28, $0x0;
	s7 =	simm.s32 $0x0;
	s31 =	sshrl.u32 s15, $0x3  }
0x95: {  	s2 =	simm.s32 @!p0 $0x6;
	s0 =	sshll.u32 s15, $0xC;
	s6 =	sadd.s32 s5, s31  }
0x96: {  	_ =	swait.ge @!p0 [sflag:s2], $0x8000;
	s0 =	sand.u32 $0x7000, s0;
	s6 =	sshll.u32 s6, $0xF  }
0x97: {  	s7 =	sand.u32 $0x7000, s7;
	[sflag:s2] =	ssyncset.done @!p0 $0x0;
	s30 =	sor.u32 s0, s6  }
0x98: {  	s16 =	simm.s32 $0x0;
	[sflag:s2] =	ssyncadd.s32 @!p0 $0xFFFF8000;
	s0 =	sadd.s32 s1, s30  }
0x99: {  	[tilespmem:s20], [sflag:$0x3] =	stream.linear.gather [hbm4b:s0+s16], $0x8000, $0x38;
	[tilespmem:$0x18400] =	vst v63  }
0x9a: {  	s9 =	sand.u32 $0xC00, s16;
	s0 =	sadd.s32 $0x1, s29;
	_ =	swait.ge [sflag:s21], $0x8000  }
0x9b: {  	s7 =	sor.u32 s9, s7;
	s2 =	sshrl.u32 s0, $0x3;
	[sflag:s21] =	ssyncset.done $0x0  }
0x9c: {  	s6 =	sand.u32 $0x380, s16;
	s10 =	sshll.u32 s2, $0x4;
	[sflag:s21] =	ssyncadd.s32 $0xFFFF8000  }
0x9d: {  	s14 =	sor.u32 s6, s7;
	v0 =	vld [tilespmem:s10+$0x300]  }
0x9e: {  	v2 =	vld [tilespmem:s14+$0x8470]  }
0x9f: {  	v1 =	vld [tilespmem:s10+$0x380]  }
0xa0: {  	v3 =	vld [tilespmem:s14+$0x8400]  }
0xa1: {  	v4 =	vld [tilespmem:s14+$0x8410]  }
0xa2: {  	v5 =	vld [tilespmem:s14+$0x8420]  }
0xa3: {  	v6 =	vld [tilespmem:s14+$0x8430]  }
0xa4: {  	v7 =	vld [tilespmem:s14+$0x8440]  }
0xa5: {  	v9 =	vld [tilespmem:s14+$0x8450];
	_ =	sdelay $0x1  }
0xa6: {  	v10 =	vld [tilespmem:s14+$0x8460];
	v2 =	vmul.f32 v2, v0  }
0xa7: {  	v3 =	vmul.f32 v3, v0;
	v4 =	vmul.f32 v4, v0  }
0xa8: {  	v5 =	vmul.f32 v5, v0;
	v6 =	vmul.f32 v6, v0;
	v2 =	vadd.f32 v2, v1  }
0xa9: {  	v7 =	vmul.f32 v7, v0;
	v9 =	vmul.f32 v9, v0  }
0xaa: {  	v3 =	vadd.f32 v3, v1;
	v4 =	vadd.f32 v4, v1;
	v8 =	vtrunc.f32 v2  }
0xab: {  	s9 =	simm.s32 $0x400;
	s7 =	simm.s32 $0x80;
	v10 =	vmul.f32 v10, v0;
	v5 =	vadd.f32 v5, v1;
	v8 =	vcvt.f32.s32 v8  }
0xac: {  	s11 =	sand.u32 $0xC00, s9;
	s8 =	sand.u32 $0x7000, s7;
	s10 =	simm.s32 $0x20;
	v6 =	vadd.f32 v6, v1;
	v11 =	vtrunc.f32 v3;
	v12 =	vtrunc.f32 v4  }
0xad: {  	s11 =	sor.u32 s11, s8;
	s12 =	sand.u32 $0x380, s10;
	v26 =	vadd.f32 v10, v1;
	v13 =	vtrunc.f32 v5;
	v11 =	vcvt.f32.s32 v11  }
0xae: {  	s16 =	sor.u32 s12, s11;
	v14 =	vtrunc.f32 v6;
	v12 =	vcvt.f32.s32 v12  }
0xaf: {  	s15 =	sshll.u32 s2, $0x6;
	v25 =	vld [tilespmem:s16+$0x8410];
	v19 =	vtrunc.f32 v26;
	v16 =	vcvt.f32.s32 v13  }
0xb0: {  	s6 =	sadd.s32 $0x180, s15;
	v24 =	vcvt.f32.s32 v14;
	v58 =	vcvt.f32.s32 v19;
	v19 =	vld [tilespmem:s16+$0x8470]  }
0xb1: {  	v7 =	vadd.f32 v7, v1;
	v13 =	vld.idx.msk [tilespmem:v8+s6+$0x0], $0xffff  }
0xb2: {  	v9 =	vadd.f32 v9, v1;
	v14 =	vld.idx.msk [tilespmem:v8+s15+$0x0], $0xffff  }
0xb3: {  	v15 =	vtrunc.f32 v7;
	v10 =	vld.idx.msk [tilespmem:v11+s6+$0x0], $0xffff  }
0xb4: {  	v17 =	vtrunc.f32 v9;
	v20 =	vcvt.s32.f32 v11;
	v18 =	vld.idx.msk [tilespmem:v12+s6+$0x0], $0xffff  }
0xb5: {  	v27 =	vcvt.f32.s32 v15;
	v15 =	vld.idx.msk [tilespmem:v16+s6+$0x0], $0xffff;
	v8 =	vcvt.s32.f32 v8  }
0xb6: {  	v29 =	vcvt.f32.s32 v17;
	v3 =	vsub.f32 v3, v20;
	v20 =	vcvt.s32.f32 v24;
	v17 =	vld.idx.msk [tilespmem:v24+s6+$0x0], $0xffff  }
0xb7: {  	v21 =	vcvt.s32.f32 v12;
	v22 =	vcvt.s32.f32 v16;
	v2 =	vsub.f32 v2, v8;
	v8 =	vld [tilespmem:s16+$0x8400]  }
0xb8: {  	v23 =	vcvt.s32.f32 v27;
	v28 =	vcvt.s32.f32 v29;
	v6 =	vsub.f32 v6, v20;
	v20 =	vld [tilespmem:s16+$0x8430]  }
0xb9: {  	v30 =	vld [tilespmem:s16+$0x8420];
	v4 =	vsub.f32 v4, v21;
	v5 =	vsub.f32 v5, v22;
	v13 =	vmul.f32 v2, v13  }
0xba: {  	v2 =	vsub.f32 v7, v23;
	v7 =	vmul.f32 v3, v10;
	v3 =	vmul.f32 v19, v0  }
0xbb: {  	v10 =	vld [tilespmem:s16+$0x8440];
	v61 =	vmul.f32 v5, v15;
	v5 =	vmul.f32 v25, v0  }
0xbc: {  	v60 =	vmul.f32 v4, v18;
	v4 =	vmul.f32 v8, v0;
	v8 =	vld [tilespmem:s16+$0x8450];
	v23 =	vadd.f32 v3, v1  }
0xbd: {  	v22 =	vld [tilespmem:s16+$0x8460];
	v3 =	vmul.f32 v6, v17;
	v18 =	vadd.f32 v5, v1;
	v5 =	vmul.f32 v20, v0  }
0xbe: {  	v62 =	vld.idx.msk [tilespmem:v11+s15+$0x0], $0xffff;
	v21 =	vadd.f32 v4, v1;
	v4 =	vmul.f32 v30, v0;
	v6 =	vtrunc.f32 v23  }
0xbf: {  	v31 =	vcvt.s32.f32 v58;
	v63 =	vld.idx.msk [tilespmem:v12+s15+$0x0], $0xffff;
	v19 =	vadd.f32 v5, v1;
	v30 =	vcvt.f32.s32 v6  }
0xc0: {  	v39 =	vld.idx.msk [tilespmem:v16+s15+$0x0], $0xffff;
	v17 =	vadd.f32 v4, v1;
	v4 =	vmul.f32 v10, v0;
	v6 =	vtrunc.f32 v21  }
0xc1: {  	v15 =	vld.idx.msk [tilespmem:v29+s6+$0x0], $0xffff;
	v38 =	vtrunc.f32 v19;
	v5 =	vmul.f32 v8, v0  }
0xc2: {  	v25 =	vld.idx.msk [tilespmem:v24+s15+$0x0], $0xffff;
	v59 =	vadd.f32 v13, v14;
	v8 =	vtrunc.f32 v18;
	v10 =	vcvt.f32.s32 v6  }
0xc3: {  	v24 =	vld.idx.msk [tilespmem:v27+s15+$0x0], $0xffff;
	v6 =	vsub.f32 v9, v28;
	v9 =	vcvt.f32.s32 v38;
	v33 =	vcvt.s32.f32 v30  }
0xc4: {  	v14 =	vld.idx.msk [tilespmem:v27+s6+$0x0], $0xffff;
	v20 =	vadd.f32 v4, v1;
	v4 =	vmul.f32 v22, v0;
	v11 =	vtrunc.f32 v17  }
0xc5: {  	v13 =	vld.idx.msk [tilespmem:v58+s6+$0x0], $0xffff;
	v12 =	vcvt.f32.s32 v8;
	v8 =	vsub.f32 v26, v31;
	v22 =	vadd.f32 v5, v1  }
0xc6: {  	v26 =	vld.idx.msk [tilespmem:v29+s15+$0x0], $0xffff;
	v11 =	vcvt.f32.s32 v11;
	v32 =	vcvt.s32.f32 v10;
	v16 =	vadd.f32 v4, v1  }
0xc7: {  	v40 =	vadd.f32 v7, v62;
	v5 =	vtrunc.f32 v20;
	v4 =	vtrunc.f32 v22;
	v28 =	vld.idx.msk [tilespmem:v30+s6+$0x0], $0xffff  }
0xc8: {  	[tilespmem:s14+$0x8470] =	vst v59;
	v31 =	vadd.f32 v60, v63;
	v7 =	vcvt.f32.s32 v5;
	v29 =	vld.idx.msk [tilespmem:v30+s15+$0x0], $0xffff;
	v27 =	vtrunc.f32 v16  }
0xc9: {  	[tilespmem:s14+$0x8400] =	vst v40;
	v30 =	vadd.f32 v61, v39;
	v4 =	vcvt.f32.s32 v4;
	v5 =	vcvt.f32.s32 v27;
	v27 =	vld.idx.msk [tilespmem:v58+s15+$0x0], $0xffff  }
.LBB2_5:
0xca: {  	s7 =	sadd.s32 $0x80, s7;
	v34 =	vld.idx.msk [tilespmem:v10+s6+$0x0], $0xffff;
	v35 =	vcvt.s32.f32 v12;
	v36 =	vcvt.s32.f32 v11;
	v23 =	vsub.f32 v23, v33;
	s9 =	sadd.s32 $0x400, s9;
	[tilespmem:s14+$0x8410] =	vst v31  }
0xcb: {  	v33 =	vcvt.s32.f32 v7;
	s10 =	sadd.s32 $0x20, s10;
	s11 =	sand.u32 $0x7000, s7;
	s12 =	sand.u32 $0xC00, s9;
	v21 =	vsub.f32 v21, v32;
	v31 =	vld.idx.msk [tilespmem:v12+s6+$0x0], $0xffff;
	v32 =	vcvt.s32.f32 v9;
	[tilespmem:s14+$0x8420] =	vst v30  }
0xcc: {  	s8 =	sand.u32 $0x380, s10;
	p0 =	slt.u32 s7, $0x7F80;
	s11 =	sor.u32 s12, s11;
	v18 =	vsub.f32 v18, v35;
	v30 =	vld.idx.msk [tilespmem:v11+s6+$0x0], $0xffff;
	v35 =	vcvt.s32.f32 v4;
	v23 =	vmul.f32 v23, v28  }
0xcd: {  	v17 =	vsub.f32 v17, v36;
	s8 =	sor.u32 s8, s11;
	v19 =	vsub.f32 v19, v32;
	v28 =	vld.idx.msk [tilespmem:v9+s6+$0x0], $0xffff;
	v32 =	vcvt.s32.f32 v5  }
0xce: {  	v14 =	vmul.f32 v2, v14;
	v2 =	vsub.f32 v20, v33;
	v36 =	vld [tilespmem:s8+$0x8470];
	v23 =	vadd.f32 v23, v29  }
0xcf: {  	v15 =	vmul.f32 v6, v15;
	v6 =	vsub.f32 v22, v35;
	v20 =	vld [tilespmem:s8+$0x8400];
	v16 =	vsub.f32 v16, v32  }
0xd0: {  	v3 =	vadd.f32 v3, v25;
	v13 =	vmul.f32 v8, v13;
	v29 =	vmul.f32 v21, v34;
	v22 =	vld [tilespmem:s8+$0x8410];
	[tilespmem:s16+$0x8470] =	vst v23  }
0xd1: {  	v14 =	vadd.f32 v14, v24;
	v15 =	vadd.f32 v15, v26;
	v31 =	vmul.f32 v18, v31;
	v25 =	vld [tilespmem:s8+$0x8420];
	v8 =	vmovc v16  }
0xd2: {  	v13 =	vadd.f32 v13, v27;
	v30 =	vmul.f32 v17, v30;
	v16 =	vld [tilespmem:s8+$0x8430];
	[tilespmem:s14+$0x8430] =	vst v3  }
0xd3: {  	v3 =	vmul.f32 v19, v28;
	v24 =	vld [tilespmem:s8+$0x8440];
	v17 =	vmul.f32 v36, v0;
	[tilespmem:s14+$0x8440] =	vst v14  }
0xd4: {  	v14 =	vmul.f32 v20, v0;
	v20 =	vld [tilespmem:s8+$0x8450];
	[tilespmem:s14+$0x8450] =	vst v15  }
0xd5: {  	v15 =	vmul.f32 v22, v0;
	v22 =	vld [tilespmem:s8+$0x8460];
	v23 =	vadd.f32 v17, v1;
	[tilespmem:s14+$0x8460] =	vst v13;
	s14 =	smov.u32 s16;
	s16 =	smov.u32 s8  }
0xd6: {  	v21 =	vadd.f32 v14, v1;
	v13 =	vmul.f32 v25, v0;
	v14 =	vld.idx.msk [tilespmem:v7+s6+$0x0], $0xffff  }
0xd7: {  	v18 =	vadd.f32 v15, v1;
	v16 =	vmul.f32 v16, v0;
	v19 =	vtrunc.f32 v23;
	v15 =	vld.idx.msk [tilespmem:v4+s6+$0x0], $0xffff  }
0xd8: {  	v17 =	vadd.f32 v13, v1;
	v24 =	vmul.f32 v24, v0;
	v27 =	vcvt.f32.s32 v19;
	v13 =	vld.idx.msk [tilespmem:v5+s6+$0x0], $0xffff  }
0xd9: {  	v25 =	vtrunc.f32 v21;
	v19 =	vadd.f32 v16, v1;
	v16 =	vmul.f32 v20, v0;
	v26 =	vld.idx.msk [tilespmem:v10+s15+$0x0], $0xffff  }
0xda: {  	v28 =	vtrunc.f32 v18;
	v20 =	vadd.f32 v24, v1;
	v24 =	vmul.f32 v22, v0;
	v32 =	vld.idx.msk [tilespmem:v12+s15+$0x0], $0xffff  }
0xdb: {  	v33 =	vtrunc.f32 v17;
	v34 =	vtrunc.f32 v19;
	v22 =	vadd.f32 v16, v1;
	v35 =	vld.idx.msk [tilespmem:v11+s15+$0x0], $0xffff  }
0xdc: {  	v10 =	vcvt.f32.s32 v25;
	v36 =	vtrunc.f32 v20;
	v16 =	vadd.f32 v24, v1;
	v25 =	vld.idx.msk [tilespmem:v9+s15+$0x0], $0xffff  }
.Ltmp3:
0xdd: {  	v12 =	vcvt.f32.s32 v28;
	v37 =	vtrunc.f32 v22;
	v24 =	vld.idx.msk [tilespmem:v7+s15+$0x0], $0xffff;
	(pc) =	sbr.rel @p0 .LBB2_5-.Ltmp3, $4  }
0xde: {  	v11 =	vcvt.f32.s32 v33;
	v38 =	vtrunc.f32 v16;
	v28 =	vld.idx.msk [tilespmem:v27+s6+$0x0], $0xffff  }
0xdf: {  	v9 =	vcvt.f32.s32 v34;
	v7 =	vcvt.f32.s32 v36;
	v34 =	vadd.f32 v29, v26;
	v26 =	vld.idx.msk [tilespmem:v4+s15+$0x0], $0xffff  }
0xe0: {  	v33 =	vcvt.s32.f32 v27;
	v4 =	vcvt.f32.s32 v37;
	v31 =	vadd.f32 v31, v32;
	v29 =	vld.idx.msk [tilespmem:v27+s15+$0x0], $0xffff  }
0xe1: {  	v32 =	vcvt.s32.f32 v10;
	v30 =	vadd.f32 v30, v35;
	[tilespmem:s14+$0x8400] =	vst v34;
	v27 =	vld.idx.msk [tilespmem:v5+s15+$0x0], $0xffff;
	v5 =	vcvt.f32.s32 v38  }
0xe2: {  	_ =	sdelay $0x3  }
0xe3: {  	v0 =	vld.idx.msk [tilespmem:v10+s6+$0x0], $0xffff  }
0xe4: {  	v1 =	vld.idx.msk [tilespmem:v12+s6+$0x0], $0xffff  }
0xe5: {  	v34 =	vld.idx.msk [tilespmem:v11+s6+$0x0], $0xffff  }
0xe6: {  	v55 =	vld.idx.msk [tilespmem:v9+s6+$0x0], $0xffff  }
0xe7: {  	v35 =	vcvt.s32.f32 v12;
	v36 =	vcvt.s32.f32 v11;
	v37 =	vld.idx.msk [tilespmem:v7+s6+$0x0], $0xffff  }
0xe8: {  	v56 =	vcvt.s32.f32 v9;
	[tilespmem:s14+$0x8410] =	vst v31;
	v31 =	vcvt.s32.f32 v7;
	v10 =	vld.idx.msk [tilespmem:v10+s15+$0x0], $0xffff  }
0xe9: {  	v23 =	vsub.f32 v23, v33;
	v2 =	vmul.f32 v2, v14;
	v6 =	vmul.f32 v6, v15;
	v12 =	vld.idx.msk [tilespmem:v12+s15+$0x0], $0xffff  }
0xea: {  	v3 =	vadd.f32 v3, v25;
	v8 =	vmul.f32 v8, v13;
	v11 =	vld.idx.msk [tilespmem:v11+s15+$0x0], $0xffff;
	v21 =	vsub.f32 v21, v32  }
0xeb: {  	[tilespmem:s14+$0x8420] =	vst v30;
	v30 =	vcvt.s32.f32 v4;
	v57 =	vld.idx.msk [tilespmem:v5+s6+$0x0], $0xffff;
	v18 =	vsub.f32 v18, v35;
	v17 =	vsub.f32 v17, v36  }
0xec: {  	v23 =	vmul.f32 v23, v28;
	v28 =	vld.idx.msk [tilespmem:v4+s6+$0x0], $0xffff;
	v19 =	vsub.f32 v19, v56;
	v2 =	vadd.f32 v2, v24  }
0xed: {  	v20 =	vsub.f32 v20, v31;
	v6 =	vadd.f32 v6, v26;
	[tilespmem:s14+$0x8430] =	vst v3;
	v3 =	vld.idx.msk [tilespmem:v9+s15+$0x0], $0xffff  }
0xee: {  	v14 =	vsub.f32 v22, v30;
	v23 =	vadd.f32 v23, v29;
	[tilespmem:s14+$0x8440] =	vst v2;
	v0 =	vmul.f32 v21, v0  }
0xef: {  	v8 =	vadd.f32 v8, v27;
	v2 =	vld.idx.msk [tilespmem:v7+s15+$0x0], $0xffff;
	[tilespmem:s14+$0x8450] =	vst v6;
	v1 =	vmul.f32 v18, v1  }
0xf0: {  	v4 =	vld.idx.msk [tilespmem:v4+s15+$0x0], $0xffff;
	v7 =	vcvt.s32.f32 v5;
	v9 =	vmul.f32 v17, v34;
	[tilespmem:s16+$0x8470] =	vst v23;
	v0 =	vadd.f32 v0, v10  }
0xf1: {  	v5 =	vld.idx.msk [tilespmem:v5+s15+$0x0], $0xffff;
	v6 =	vmul.f32 v19, v55;
	[tilespmem:s14+$0x8460] =	vst v8;
	v1 =	vadd.f32 v1, v12  }
0xf2: {  	v7 =	vsub.f32 v16, v7;
	v8 =	vmul.f32 v20, v37;
	[tilespmem:s16+$0x8400] =	vst v0;
	v0 =	vadd.f32 v9, v11  }
0xf3: {  	v3 =	vadd.f32 v6, v3;
	[tilespmem:s16+$0x8410] =	vst v1;
	v1 =	vmul.f32 v14, v28  }
0xf4: {  	v2 =	vadd.f32 v8, v2;
	[tilespmem:s16+$0x8420] =	vst v0;
	v0 =	vmul.f32 v7, v57  }
0xf5: {  	s0 =	sshll.u32 s0, $0xC;
	[tilespmem:s16+$0x8430] =	vst v3;
	v1 =	vadd.f32 v1, v4  }
0xf6: {  	s2 =	sadd.s32 s5, s2;
	s0 =	sand.u32 $0x7000, s0;
	[tilespmem:s16+$0x8440] =	vst v2;
	v0 =	vadd.f32 v0, v5  }
0xf7: {  	s2 =	sshll.u32 s2, $0xF;
	s0 =	sadd.s32 s3, s0;
	[tilespmem:s16+$0x8450] =	vst v1  }
0xf8: {  	p0 =	seq.s32 s28, $0xF;
	s0 =	sadd.s32 s2, s0;
	[tilespmem:s16+$0x8460] =	vst v0  }
0xf9: {  	[hbm4b:s0+s4] =	stream.linear.scatter [tilespmem:s18], [sflag:$0x5], $0x8000, $0x38;
	[tilespmem:$0x18400] =	vst v63  }
0xfa: {  	s7 =	sshll.u32 s31, $0x4;
	s2 =	simm.s32 @!p0 $0x4;
	s0 =	sadd.s32 @!p0 $0x3, s29  }
0xfb: {  	_ =	swait.ge @!p0 [sflag:s2], $0x8000;
	s6 =	sshrl.u32 @!p0 s0, $0x3;
	s0 =	sshll.u32 @!p0 s0, $0xC  }
0xfc: {  	[sflag:s2] =	ssyncset.done @!p0 $0x0;
	s6 =	sadd.s32 @!p0 s5, s6;
	s0 =	sand.u32 @!p0 $0x7000, s0  }
0xfd: {  	[sflag:s2] =	ssyncadd.s32 @!p0 $0xFFFF8000;
	s2 =	sshll.u32 @!p0 s6, $0xF;
	s0 =	sadd.s32 @!p0 s1, s0  }
0xfe: {  	s6 =	simm.s32 @!p0 $0x400;
	s0 =	sadd.s32 @!p0 s2, s0;
	s2 =	simm.s32 @!p0 $0x0  }
0xff: {  	[tilespmem:s6], [sflag:$0x1] =	stream.linear.gather @!p0 [hbm4b:s0+s2], $0x8000, $0x38;
	[tilespmem:$0x18400] =	vst v63  }
0x100: {  	s15 =	simm.s32 $0x0;
	s14 =	simm.s32 $0x0;
	_ =	swait.ge [sflag:s22], $0x8000  }
0x101: {  	s16 =	sand.u32 $0xC00, s14;
	s2 =	sand.u32 $0x7000, s15;
	[sflag:s22] =	ssyncset.done $0x0  }
0x102: {  	s0 =	sand.u32 $0x380, s14;
	s2 =	sor.u32 s16, s2;
	[sflag:s22] =	ssyncadd.s32 $0xFFFF8000  }
0x103: {  	s0 =	sor.u32 s0, s2;
	v0 =	vld [tilespmem:s7+$0x300]  }
0x104: {  	s2 =	sadd.s32 $0x10400, s0;
	v1 =	vld [tilespmem:s7+$0x380]  }
0x105: {  	v2 =	vld [tilespmem:s2+$0x70]  }
0x106: {  	v3 =	vld [tilespmem:s0+$0x10400]  }
0x107: {  	v4 =	vld [tilespmem:s2+$0x10]  }
0x108: {  	v5 =	vld [tilespmem:s2+$0x20]  }
0x109: {  	v6 =	vld [tilespmem:s2+$0x30]  }
0x10a: {  	v7 =	vld [tilespmem:s2+$0x40]  }
0x10b: {  	v8 =	vld [tilespmem:s2+$0x50]  }
0x10c: {  	v2 =	vmul.f32 v2, v0  }
0x10d: {  	v5 =	vmul.f32 v5, v0  }
0x10e: {  	v10 =	vld [tilespmem:s2+$0x60];
	v4 =	vmul.f32 v4, v0;
	v3 =	vmul.f32 v3, v0;
	v2 =	vadd.f32 v2, v1  }
0x10f: {  	s6 =	simm.s32 $0x80;
	s7 =	simm.s32 $0x400;
	v6 =	vmul.f32 v6, v0;
	v7 =	vmul.f32 v7, v0;
	v5 =	vadd.f32 v5, v1  }
0x110: {  	s9 =	simm.s32 $0x20;
	s8 =	sand.u32 $0x7000, s6;
	s10 =	sand.u32 $0xC00, s7;
	v8 =	vmul.f32 v8, v0;
	v4 =	vadd.f32 v4, v1;
	v9 =	vtrunc.f32 v2  }
0x111: {  	s11 =	sand.u32 $0x380, s9;
	s8 =	sor.u32 s10, s8;
	v12 =	vtrunc.f32 v5;
	v9 =	vcvt.f32.s32 v9  }
0x112: {  	s15 =	sor.u32 s11, s8;
	v7 =	vadd.f32 v7, v1;
	v11 =	vtrunc.f32 v4;
	v12 =	vcvt.f32.s32 v12  }
0x113: {  	s16 =	sadd.s32 $0x10400, s15;
	v19 =	vld [tilespmem:s15+$0x10400];
	v10 =	vmul.f32 v10, v0;
	v6 =	vadd.f32 v6, v1;
	v11 =	vcvt.f32.s32 v11  }
0x114: {  	v23 =	vld [tilespmem:s16+$0x70];
	v8 =	vadd.f32 v8, v1;
	v14 =	vtrunc.f32 v7;
	v18 =	vcvt.s32.f32 v12  }
0x115: {  	s14 =	sshll.u32 s31, $0x6;
	v29 =	vld [tilespmem:s16+$0x10];
	v10 =	vadd.f32 v10, v1;
	v13 =	vtrunc.f32 v6;
	v25 =	vcvt.f32.s32 v14  }
0x116: {  	s31 =	sadd.s32 $0x180, s14;
	v26 =	vadd.f32 v3, v1;
	v22 =	vcvt.f32.s32 v13;
	v5 =	vsub.f32 v5, v18;
	v18 =	vld [tilespmem:s16+$0x20]  }
0x117: {  	v15 =	vtrunc.f32 v8;
	v16 =	vtrunc.f32 v10;
	v3 =	vld.idx.msk [tilespmem:v9+s31+$0x0], $0xffff  }
0x118: {  	v13 =	vtrunc.f32 v26;
	v28 =	vcvt.f32.s32 v15;
	v27 =	vld.idx.msk [tilespmem:v9+s14+$0x0], $0xffff  }
0x119: {  	v31 =	vcvt.f32.s32 v16;
	v14 =	vld.idx.msk [tilespmem:v11+s31+$0x0], $0xffff;
	v9 =	vcvt.s32.f32 v9  }
0x11a: {  	v30 =	vcvt.f32.s32 v13;
	v15 =	vcvt.s32.f32 v11;
	v17 =	vld.idx.msk [tilespmem:v12+s31+$0x0], $0xffff  }
0x11b: {  	v20 =	vcvt.s32.f32 v22;
	v21 =	vcvt.s32.f32 v25;
	v16 =	vld.idx.msk [tilespmem:v25+s31+$0x0], $0xffff;
	v2 =	vsub.f32 v2, v9  }
0x11c: {  	v24 =	vcvt.s32.f32 v28;
	v4 =	vsub.f32 v4, v15;
	v15 =	vcvt.s32.f32 v31;
	v13 =	vld.idx.msk [tilespmem:v22+s31+$0x0], $0xffff  }
0x11d: {  	v6 =	vsub.f32 v6, v20;
	v7 =	vsub.f32 v7, v21;
	v58 =	vmul.f32 v2, v3  }
0x11e: {  	v21 =	vld [tilespmem:s16+$0x30];
	v2 =	vsub.f32 v8, v24;
	v8 =	vmul.f32 v4, v14;
	v4 =	vmul.f32 v19, v0  }
0x11f: {  	v63 =	vld.idx.msk [tilespmem:v11+s14+$0x0], $0xffff;
	v3 =	vsub.f32 v10, v15;
	v59 =	vmul.f32 v5, v17;
	v10 =	vmul.f32 v23, v0  }
0x120: {  	v19 =	vld [tilespmem:s16+$0x40];
	v16 =	vmul.f32 v7, v16;
	v7 =	vmul.f32 v18, v0  }
0x121: {  	v5 =	vld [tilespmem:s16+$0x50];
	v60 =	vmul.f32 v6, v13;
	v6 =	vmul.f32 v29, v0;
	v4 =	vadd.f32 v4, v1  }
0x122: {  	v38 =	vld.idx.msk [tilespmem:v12+s14+$0x0], $0xffff;
	v9 =	vcvt.s32.f32 v30;
	v20 =	vadd.f32 v10, v1;
	v17 =	vadd.f32 v7, v1  }
0x123: {  	v23 =	vld [tilespmem:s16+$0x60];
	v18 =	vadd.f32 v6, v1;
	v6 =	vmul.f32 v21, v0;
	v61 =	vtrunc.f32 v4  }
0x124: {  	v40 =	vld.idx.msk [tilespmem:v22+s14+$0x0], $0xffff;
	v10 =	vtrunc.f32 v20;
	v11 =	vtrunc.f32 v17  }
0x125: {  	v22 =	vld.idx.msk [tilespmem:v28+s14+$0x0], $0xffff;
	v32 =	vadd.f32 v58, v27;
	v7 =	vmul.f32 v19, v0;
	v62 =	vcvt.f32.s32 v10  }
0x126: {  	v13 =	vld.idx.msk [tilespmem:v28+s31+$0x0], $0xffff;
	v19 =	vadd.f32 v6, v1;
	v5 =	vmul.f32 v5, v0;
	v6 =	vtrunc.f32 v18  }
0x127: {  	v14 =	vld.idx.msk [tilespmem:v31+s31+$0x0], $0xffff;
	v12 =	vcvt.f32.s32 v11;
	v10 =	vcvt.f32.s32 v6;
	v21 =	vadd.f32 v7, v1  }
0x128: {  	v29 =	vld.idx.msk [tilespmem:v25+s14+$0x0], $0xffff;
	v7 =	vmul.f32 v23, v0;
	v39 =	vtrunc.f32 v19;
	v23 =	vadd.f32 v5, v1  }
0x129: {  	v25 =	vld.idx.msk [tilespmem:v31+s14+$0x0], $0xffff;
	v37 =	vadd.f32 v8, v63;
	v31 =	vcvt.s32.f32 v62;
	v11 =	vcvt.f32.s32 v39  }
0x12a: {  	v15 =	vld.idx.msk [tilespmem:v30+s31+$0x0], $0xffff;
	v5 =	vtrunc.f32 v21;
	v24 =	vadd.f32 v7, v1;
	v7 =	vtrunc.f32 v23  }
0x12b: {  	v6 =	vsub.f32 v26, v9;
	v9 =	vcvt.f32.s32 v5;
	v7 =	vcvt.f32.s32 v7;
	v27 =	vld.idx.msk [tilespmem:v62+s31+$0x0], $0xffff  }
0x12c: {  	v33 =	vadd.f32 v59, v38;
	[tilespmem:s2+$0x70] =	vst v32;
	v5 =	vcvt.f32.s32 v61;
	v26 =	vtrunc.f32 v24;
	v28 =	vld.idx.msk [tilespmem:v62+s14+$0x0], $0xffff  }
0x12d: {  	[tilespmem:s2+$0x10] =	vst v37;
	v32 =	vadd.f32 v60, v40;
	v8 =	vcvt.f32.s32 v26;
	v26 =	vld.idx.msk [tilespmem:v30+s14+$0x0], $0xffff;
	v30 =	vcvt.s32.f32 v10  }
.LBB2_7:
0x12e: {  	s6 =	sadd.s32 $0x80, s6;
	v34 =	vld.idx.msk [tilespmem:v10+s31+$0x0], $0xffff;
	v35 =	vcvt.s32.f32 v12;
	v36 =	vcvt.s32.f32 v11;
	s7 =	sadd.s32 $0x400, s7;
	[tilespmem:s2+$0x20] =	vst v33;
	v16 =	vadd.f32 v16, v29  }
0x12f: {  	v33 =	vcvt.s32.f32 v9;
	v37 =	vcvt.s32.f32 v7;
	s9 =	sadd.s32 $0x20, s9;
	s8 =	sand.u32 $0x7000, s6;
	s10 =	sand.u32 $0xC00, s7;
	v29 =	vld.idx.msk [tilespmem:v12+s31+$0x0], $0xffff;
	v20 =	vsub.f32 v20, v31;
	[tilespmem:s2+$0x30] =	vst v32  }
0x130: {  	s11 =	sand.u32 $0x380, s9;
	p1 =	slt.u32 s6, $0x7F80;
	v31 =	vcvt.s32.f32 v5;
	v18 =	vsub.f32 v18, v30;
	v32 =	vcvt.s32.f32 v8;
	s8 =	sor.u32 s10, s8;
	v30 =	vld.idx.msk [tilespmem:v11+s31+$0x0], $0xffff;
	[tilespmem:s2+$0x40] =	vst v16  }
0x131: {  	v16 =	vsub.f32 v17, v35;
	v17 =	vsub.f32 v19, v36;
	s8 =	sor.u32 s11, s8;
	v19 =	vld.idx.msk [tilespmem:v9+s31+$0x0], $0xffff;
	v20 =	vmul.f32 v20, v27  }
0x132: {  	v13 =	vmul.f32 v2, v13;
	v21 =	vsub.f32 v21, v33;
	v2 =	vsub.f32 v23, v37;
	s10 =	sadd.s32 $0x10400, s8;
	v27 =	vld [tilespmem:s8+$0x10400]  }
0x133: {  	v14 =	vmul.f32 v3, v14;
	v3 =	vsub.f32 v24, v32;
	v23 =	vld [tilespmem:s10+$0x70];
	v20 =	vadd.f32 v20, v28  }
0x134: {  	v15 =	vmul.f32 v6, v15;
	v6 =	vsub.f32 v4, v31;
	v28 =	vmul.f32 v18, v34;
	v24 =	vld [tilespmem:s10+$0x10]  }
0x135: {  	v4 =	vadd.f32 v13, v22;
	v13 =	vadd.f32 v14, v25;
	v31 =	vmul.f32 v16, v29;
	v18 =	vld [tilespmem:s10+$0x20];
	[tilespmem:s16+$0x70] =	vst v20  }
0x136: {  	v15 =	vadd.f32 v15, v26;
	v32 =	vmul.f32 v17, v30;
	v14 =	vld [tilespmem:s10+$0x30]  }
0x137: {  	v16 =	vmul.f32 v21, v19;
	v17 =	vmul.f32 v27, v0;
	v22 =	vld [tilespmem:s10+$0x40];
	[tilespmem:s2+$0x50] =	vst v4  }
0x138: {  	v21 =	vld [tilespmem:s10+$0x50];
	v19 =	vmul.f32 v23, v0;
	[tilespmem:s2+$0x60] =	vst v13;
	s2 =	smov.u32 s16;
	s16 =	smov.u32 s10  }
0x139: {  	v4 =	vadd.f32 v17, v1;
	v17 =	vmul.f32 v24, v0;
	v23 =	vld [tilespmem:s16+$0x60];
	[tilespmem:s0+$0x10400] =	vst v15;
	s0 =	smov.u32 s15;
	s15 =	smov.u32 s8  }
0x13a: {  	v15 =	vmul.f32 v18, v0;
	v20 =	vadd.f32 v19, v1;
	v13 =	vld.idx.msk [tilespmem:v7+s31+$0x0], $0xffff  }
0x13b: {  	v30 =	vtrunc.f32 v4;
	v18 =	vadd.f32 v17, v1;
	v19 =	vmul.f32 v14, v0;
	v14 =	vld.idx.msk [tilespmem:v8+s31+$0x0], $0xffff  }
0x13c: {  	v17 =	vadd.f32 v15, v1;
	v22 =	vmul.f32 v22, v0;
	v24 =	vtrunc.f32 v20;
	v15 =	vld.idx.msk [tilespmem:v5+s31+$0x0], $0xffff  }
0x13d: {  	v19 =	vadd.f32 v19, v1;
	v25 =	vmul.f32 v21, v0;
	v34 =	vcvt.f32.s32 v24;
	v26 =	vld.idx.msk [tilespmem:v10+s14+$0x0], $0xffff  }
0x13e: {  	v10 =	vtrunc.f32 v18;
	v21 =	vadd.f32 v22, v1;
	v22 =	vmul.f32 v23, v0;
	v33 =	vld.idx.msk [tilespmem:v12+s14+$0x0], $0xffff  }
0x13f: {  	v12 =	vtrunc.f32 v17;
	v27 =	vtrunc.f32 v19;
	v23 =	vadd.f32 v25, v1;
	v35 =	vld.idx.msk [tilespmem:v11+s14+$0x0], $0xffff  }
0x140: {  	v10 =	vcvt.f32.s32 v10;
	v36 =	vtrunc.f32 v21;
	v24 =	vadd.f32 v22, v1;
	v29 =	vld.idx.msk [tilespmem:v9+s14+$0x0], $0xffff  }
.Ltmp4:
0x141: {  	v12 =	vcvt.f32.s32 v12;
	v37 =	vtrunc.f32 v23;
	v22 =	vld.idx.msk [tilespmem:v7+s14+$0x0], $0xffff;
	(pc) =	sbr.rel @p1 .LBB2_7-.Ltmp4, $4  }
0x142: {  	v11 =	vcvt.f32.s32 v27;
	v38 =	vtrunc.f32 v24;
	v25 =	vld.idx.msk [tilespmem:v8+s14+$0x0], $0xffff  }
0x143: {  	v9 =	vcvt.f32.s32 v36;
	v7 =	vcvt.f32.s32 v37;
	v36 =	vadd.f32 v28, v26;
	v27 =	vld.idx.msk [tilespmem:v34+s31+$0x0], $0xffff  }
0x144: {  	v8 =	vcvt.f32.s32 v38;
	v33 =	vadd.f32 v31, v33;
	v26 =	vld.idx.msk [tilespmem:v5+s14+$0x0], $0xffff;
	v5 =	vcvt.f32.s32 v30  }
0x145: {  	v31 =	vcvt.s32.f32 v34;
	v30 =	vcvt.s32.f32 v10;
	v32 =	vadd.f32 v32, v35;
	v28 =	vld.idx.msk [tilespmem:v34+s14+$0x0], $0xffff;
	[tilespmem:s2+$0x10] =	vst v36  }
0x146: {  	_ =	sdelay $0x3  }
0x147: {  	v0 =	vld.idx.msk [tilespmem:v10+s31+$0x0], $0xffff  }
0x148: {  	v1 =	vld.idx.msk [tilespmem:v12+s31+$0x0], $0xffff  }
0x149: {  	v34 =	vld.idx.msk [tilespmem:v11+s31+$0x0], $0xffff  }
0x14a: {  	v36 =	vld.idx.msk [tilespmem:v9+s31+$0x0], $0xffff  }
0x14b: {  	v39 =	vld.idx.msk [tilespmem:v7+s31+$0x0], $0xffff  }
0x14c: {  	v42 =	vld.idx.msk [tilespmem:v8+s31+$0x0], $0xffff  }
0x14d: {  	v45 =	vld.idx.msk [tilespmem:v5+s31+$0x0], $0xffff  }
0x14e: {  	v46 =	vld.idx.msk [tilespmem:v10+s14+$0x0], $0xffff  }
0x14f: {  	v48 =	vld.idx.msk [tilespmem:v12+s14+$0x0], $0xffff  }
0x150: {  	v35 =	vcvt.s32.f32 v12;
	v38 =	vcvt.s32.f32 v11;
	v50 =	vld.idx.msk [tilespmem:v11+s14+$0x0], $0xffff  }
0x151: {  	v40 =	vcvt.s32.f32 v9;
	v41 =	vcvt.s32.f32 v7;
	v51 =	vld.idx.msk [tilespmem:v9+s14+$0x0], $0xffff  }
0x152: {  	[tilespmem:s2+$0x20] =	vst v33;
	v16 =	vadd.f32 v16, v29;
	v44 =	vcvt.s32.f32 v8;
	v2 =	vmul.f32 v2, v13;
	v52 =	vld.idx.msk [tilespmem:v7+s14+$0x0], $0xffff  }
0x153: {  	v3 =	vmul.f32 v3, v14;
	v6 =	vmul.f32 v6, v15;
	v55 =	vld.idx.msk [tilespmem:v8+s14+$0x0], $0xffff;
	v20 =	vsub.f32 v20, v31  }
0x154: {  	v53 =	vcvt.s32.f32 v5;
	v57 =	vld.idx.msk [tilespmem:v5+s14+$0x0], $0xffff;
	[tilespmem:s2+$0x30] =	vst v32;
	v18 =	vsub.f32 v18, v30;
	v2 =	vadd.f32 v2, v22  }
0x155: {  	[tilespmem:s2+$0x40] =	vst v16;
	v43 =	vsub.f32 v17, v35;
	v3 =	vadd.f32 v3, v25;
	v20 =	vmul.f32 v20, v27  }
0x156: {  	v19 =	vsub.f32 v19, v38;
	v6 =	vadd.f32 v6, v26;
	[tilespmem:s2+$0x50] =	vst v2;
	v0 =	vmul.f32 v18, v0  }
0x157: {  	v21 =	vsub.f32 v21, v40;
	[tilespmem:s2+$0x60] =	vst v3;
	v20 =	vadd.f32 v20, v28;
	v1 =	vmul.f32 v43, v1  }
0x158: {  	v47 =	vsub.f32 v23, v41;
	v54 =	vmul.f32 v19, v34;
	[tilespmem:s0+$0x10400] =	vst v6;
	v0 =	vadd.f32 v0, v46  }
0x159: {  	v49 =	vsub.f32 v24, v44;
	v56 =	vmul.f32 v21, v36;
	[tilespmem:s16+$0x70] =	vst v20;
	v1 =	vadd.f32 v1, v48  }
0x15a: {  	v4 =	vsub.f32 v4, v53;
	v59 =	vmul.f32 v47, v39;
	v58 =	vadd.f32 v54, v50;
	[tilespmem:s16+$0x10] =	vst v0  }
0x15b: {  	v61 =	vmul.f32 v49, v42;
	v60 =	vadd.f32 v56, v51;
	[tilespmem:s16+$0x20] =	vst v1  }
0x15c: {  	v62 =	vmul.f32 v4, v45;
	v2 =	vadd.f32 v59, v52;
	[tilespmem:s16+$0x30] =	vst v58  }
.Ltmp5:
0x15d: {  	v63 =	vadd.f32 v61, v55;
	[tilespmem:s16+$0x40] =	vst v60;
	(pc) =	sbr.rel @p0 .LBB2_10-.Ltmp5, $4  }
0x15e: {  	v0 =	vadd.f32 v62, v57;
	[tilespmem:s16+$0x50] =	vst v2  }
0x15f: {  	[tilespmem:s16+$0x60] =	vst v63  }
0x160: {  	s31 =	sadd.s32 s3, s30;
	[tilespmem:s15+$0x10400] =	vst v0  }
0x161: {  	[hbm4b:s31+s4] =	stream.linear.scatter [tilespmem:s20], [sflag:$0x6], $0x8000, $0x38;
	[tilespmem:$0x18400] =	vst v63  }
0x162: {  	s0 =	sadd.s32 $0x4, s29  }
.Ltmp6:
0x163: {  	s2 =	sshrl.u32 s0, $0x3;
	s0 =	sshll.u32 s0, $0xC;
	(pc) =	sbr.rel .LBB2_2-.Ltmp6, $4  }
0x164: {  	_ =	swait.ge [sflag:s24], $0x8000;
	s2 =	sadd.s32 s5, s2;
	s0 =	sand.u32 $0x7000, s0  }
0x165: {  	[sflag:s24] =	ssyncset.done $0x0;
	s2 =	sshll.u32 s2, $0xF;
	s0 =	sadd.s32 s1, s0  }
0x166: {  	s28 =	sadd.s32 $0x1, s28;
	[sflag:s24] =	ssyncadd.s32 $0xFFFF8000;
	s0 =	sadd.s32 s2, s0  }
0x167: {  	[tilespmem:s18], [sflag:$0x2] =	stream.linear.gather [hbm4b:s0+s4], $0x8000, $0x38;
	[tilespmem:$0x18400] =	vst v63  }
.LBB2_11:
0x168: {  	_ =	sfence.sel $0x180000  }
0x169: {  	[bflag:$0x0] =	sbarrier.arrive $0xFFFF  }
0x16a: {  	_ =	strace $0x90000047  }
0x16b: {  	s0 =	stileid.u32;
	[bflag:$0x2] =	sbarrier.arrive $0xFFFF  }
0x16c: {  	p0 =	sne.s32 s0, $0x0;
	s0 =	rddreg [dreg:$0x3]  }
0x16d: {  	s0 =	sadd.s32 @!p0 $0x100000, s0  }
0x16e: {  	[sflag:s0] =	ssyncadd.tile.s32 @!p0 $0x1;
	_ =	shalt  }
.Lfunc_end2:
_tile_overlayer_lowered:
.L_overlay_start_2:
0x16f: {  	(tag) =	ssettag $0x2  }
0x170: {  	s0 =	rddreg [dreg:$0x0];
	s2 =	stileid.u32  }
0x171: {  	s1 =	rddreg [dreg:$0x1];
	p0 =	sne.s32 s2, $0x0  }
0x172: {  	s3 =	rddreg [dreg:$0x2];
	[bflag:$0x3] =	sbarrier.arrive $0xFFFF;
	s2 =	simm.s32 @!p0 $0x1C07  }
0x173: {  	[timem:s3], [sflag:s2] =	dma.local @!p0 [hbm:s0], s1  }
0x174: {  	s0 =	simm.s32 @!p0 $0x7  }
0x175: {  	_ =	swait.ge @!p0 [sflag:s0], s1  }
0x176: {  	s1 =	ssub.s32 @!p0 $0x0, s1;
	[sflag:s0] =	ssyncset.done @!p0 $0x0  }
0x177: {  	[sflag:s0] =	ssyncadd.s32 @!p0 s1  }
0x178: {  	[bflag:$0x3] =	sbarrier.arrive $0xFFFF  }
0x179: {  	_ =	shalt  }

</sc_bundles>
